<compile_context>
chip_gen: v7x
topology: tpu7x:2x2x1
jax: 0.10.2.dev20260603
libtpu: 0.0.44.dev20260713+nightly
codegen_flags: <defaults>
</compile_context>

<pallas_src>
import jax
import jax.numpy as jnp
from jax import lax
from jax.experimental import pallas as pl
from jax.experimental.pallas import tpu as pltpu
from jax.experimental.pallas import tpu_sc as plsc

N = 10000
E = 320000
D = 128
NUM_CORES = 2
NUM_SUBCORES = 16
EDGES_PER_TILE = E // NUM_SUBCORES
CHUNK = 128
FULL_CHUNKS = EDGES_PER_TILE // CHUNK
REM = EDGES_PER_TILE - FULL_CHUNKS * CHUNK
NROWS = 2
NIDX = 4
NPAD = 10240
STRIPE = NPAD // NUM_SUBCORES
C_S2D = 0.5
C_D2S = 0.5


def _sc_body(x_hbm, edge_hbm, s_out, deg_out,
             gidx0, sidx0, gidx1, sidx1, gidx2, sidx2, gidx3, sidx3,
             rows0, rows1, ones_v, dstage_v, gidx_r, sidx_r,
             accum, degacc,
             gs0, gs1, is0, is1, is2, is3, ss0, ss1, ss2, ss3):
    c = lax.axis_index("c")
    s = lax.axis_index("s")
    g_base = c * E
    s_base = (1 - c) * E

    zero16 = jnp.zeros((16,), jnp.float32)
    one16 = jnp.ones((16,), jnp.float32)

    def _zero_row(i, carry):
        for j in range(D // 16):
            rows0[i, pl.ds(j * 16, 16)] = zero16
        return carry

    def _zero_dstage(i, carry):
        dstage_v[pl.ds(i * 16, 16)] = zero16
        return carry

    def _fill_ones(i, carry):
        ones_v[pl.ds(i * 16, 16)] = one16
        return carry

    lax.fori_loop(0, CHUNK, _zero_row, 0)
    lax.fori_loop(0, STRIPE // 16, _zero_dstage, 0)
    lax.fori_loop(0, CHUNK // 16, _fill_ones, 0)

    r0 = pl.multiple_of(s * STRIPE, 8)
    for k in range(STRIPE // CHUNK):
        pltpu.sync_copy(rows0, accum.at[pl.ds(r0 + k * CHUNK, CHUNK)])
    _ztail = STRIPE - (STRIPE // CHUNK) * CHUNK
    if _ztail:
        pltpu.sync_copy(rows0.at[pl.ds(0, _ztail)],
                        accum.at[pl.ds(r0 + STRIPE - _ztail, _ztail)])
    pltpu.sync_copy(dstage_v, degacc.at[pl.ds(r0, STRIPE)])
    plsc.subcore_barrier()

    base = s * EDGES_PER_TILE
    idx_bufs = ((gidx0, sidx0), (gidx1, sidx1), (gidx2, sidx2),
                (gidx3, sidx3))
    rows_bufs = (rows0, rows1)
    gsems = (gs0, gs1)
    isems = (is0, is1, is2, is3)
    ssems = (ss0, ss1, ss2, ss3)

    def _g_slice(g):
        return edge_hbm.at[pl.ds(pl.multiple_of(g_base + base + g * CHUNK, 8),
                                 CHUNK)]

    def _s_slice(g):
        return edge_hbm.at[pl.ds(pl.multiple_of(s_base + base + g * CHUNK, 8),
                                 CHUNK)]

    def _idx_start(g, h):
        gidx, sidx = idx_bufs[h % NIDX]
        isem = isems[h % NIDX]
        pltpu.async_copy(_g_slice(g), gidx, isem)
        pltpu.async_copy(_s_slice(g), sidx, isem)

    def _idx_wait(h):
        gidx, sidx = idx_bufs[h % NIDX]
        isem = isems[h % NIDX]
        pltpu.make_async_copy(_g_slice(0), gidx, isem).wait()
        pltpu.make_async_copy(_s_slice(0), sidx, isem).wait()

    def _gather_start(h):
        gidx, _ = idx_bufs[h % NIDX]
        pltpu.async_copy(x_hbm.at[gidx], rows_bufs[h % NROWS],
                         gsems[h % NROWS])

    def _gather_wait(h):
        gidx, _ = idx_bufs[h % NIDX]
        pltpu.make_async_copy(x_hbm.at[gidx], rows_bufs[h % NROWS],
                              gsems[h % NROWS]).wait()

    def _scatter_start(h):
        _, sidx = idx_bufs[h % NIDX]
        ssem = ssems[h % NIDX]
        pltpu.async_copy(rows_bufs[h % NROWS], accum.at[sidx], ssem, add=True)
        pltpu.async_copy(ones_v, degacc.at[sidx], ssem, add=True)

    def _scatter_wait(h):
        _, sidx = idx_bufs[h % NIDX]
        ssem = ssems[h % NIDX]
        pltpu.make_async_copy(rows_bufs[h % NROWS], accum.at[sidx],
                              ssem).wait()
        pltpu.make_async_copy(ones_v, degacc.at[sidx], ssem).wait()

    pltpu.sync_copy(_g_slice(0), gidx0)
    pltpu.sync_copy(_s_slice(0), sidx0)
    _gather_start(0)
    _idx_start(1, 1)

    def _step(g, h, warm):
        _gather_wait(h)
        if warm:
            _scatter_wait(h - 1)
        _idx_wait(h + 1)
        _gather_start(h + 1)
        _scatter_start(h)
        _idx_start(g + 2, h + 2)

    _step(0, 0, False)
    _step(1, 1, True)

    def _quad(i, carry):
        g = 4 * i + 2
        for p in range(4):
            _step(g + p, 2 + p, True)
        return carry

    n_loops = (FULL_CHUNKS - 2 - 2) // 4
    lax.fori_loop(0, n_loops, _quad, 0)
    g_pe = 2 + 4 * n_loops
    for p in range(FULL_CHUNKS - 2 - g_pe):
        _step(g_pe + p, g_pe + p, True)
    hA, hB = FULL_CHUNKS - 2, FULL_CHUNKS - 1
    _gather_wait(hA)
    _scatter_wait(hA - 1)
    _idx_wait(hB)
    _gather_start(hB)
    _scatter_start(hA)
    _gather_wait(hB)
    _scatter_wait(hA)
    _scatter_start(hB)
    _scatter_wait(hB)

    offr = base + FULL_CHUNKS * CHUNK
    pltpu.sync_copy(edge_hbm.at[pl.ds(pl.multiple_of(g_base + offr, 8), REM)],
                    gidx_r)
    pltpu.sync_copy(edge_hbm.at[pl.ds(pl.multiple_of(s_base + offr, 8), REM)],
                    sidx_r)
    pltpu.async_copy(x_hbm.at[gidx_r], rows0.at[pl.ds(0, REM)], gs0).wait()
    pltpu.sync_copy(rows0.at[pl.ds(0, REM)], accum.at[sidx_r], add=True)
    pltpu.sync_copy(ones_v.at[pl.ds(0, REM)], degacc.at[sidx_r], add=True)

    plsc.subcore_barrier()

    pltpu.sync_copy(accum.at[pl.ds(r0, STRIPE)],
                    s_out.at[c, pl.ds(r0, STRIPE)])
    pltpu.sync_copy(degacc.at[pl.ds(r0, STRIPE)],
                    deg_out.at[pl.ds(pl.multiple_of(c * NPAD + r0, 8),
                                     STRIPE)])


_sc_aggregate = pl.kernel(
    _sc_body,
    out_type=(
        jax.ShapeDtypeStruct((NUM_CORES, NPAD, D), jnp.float32),
        jax.ShapeDtypeStruct((NUM_CORES * NPAD,), jnp.float32),
    ),
    mesh=plsc.VectorSubcoreMesh(
        core_axis_name="c", subcore_axis_name="s",
        num_cores=NUM_CORES, num_subcores=NUM_SUBCORES),
    scratch_types=(
        [pltpu.VMEM((CHUNK,), jnp.int32) for _ in range(8)]
        + [pltpu.VMEM((CHUNK, D), jnp.float32) for _ in range(2)]
        + [
            pltpu.VMEM((CHUNK,), jnp.float32),
            pltpu.VMEM((STRIPE,), jnp.float32),
            pltpu.VMEM((REM,), jnp.int32),
            pltpu.VMEM((REM,), jnp.int32),
            pltpu.VMEM_SHARED((NPAD, D), jnp.float32),
            pltpu.VMEM_SHARED((NPAD,), jnp.float32),
        ]
        + [pltpu.SemaphoreType.DMA] * 10
    ),
)


BLK = 1000


def _self_body(x_ref, ws_ref, bs_ref, b1_ref, b2_ref, o_ref):
    acc = jnp.dot(x_ref[...], ws_ref[...], preferred_element_type=jnp.float32)
    bias = bs_ref[...] + C_S2D * b1_ref[...] + C_D2S * b2_ref[...]
    o_ref[...] = acc + bias[None, :]


def _fin_body(base_ref, s0_ref, s1_ref, d0_ref, d1_ref, w1_ref, w2_ref,
              o_ref):
    inv0 = C_S2D / jnp.maximum(d0_ref[...], 1.0)
    inv1 = C_D2S / jnp.maximum(d1_ref[...], 1.0)
    acc = base_ref[...]
    acc = acc + jnp.dot(s0_ref[...] * inv0, w1_ref[...],
                        preferred_element_type=jnp.float32)
    acc = acc + jnp.dot(s1_ref[...] * inv1, w2_ref[...],
                        preferred_element_type=jnp.float32)
    o_ref[...] = acc


def _row_spec():
    return pl.BlockSpec((BLK, D), lambda i: (i, 0))


def _self_part(x, w_self, b_self, b_s2d, b_d2s):
    w_spec = pl.BlockSpec((D, D), lambda i: (0, 0))
    b_spec = pl.BlockSpec((D,), lambda i: (0,))
    return pl.pallas_call(
        _self_body,
        grid=(N // BLK,),
        in_specs=[_row_spec(), w_spec, b_spec, b_spec, b_spec],
        out_specs=_row_spec(),
        out_shape=jax.ShapeDtypeStruct((N, D), jnp.float32),
    )(x, w_self, b_self, b_s2d, b_d2s)


def _finalize(base, s0, s1, d0, d1, w_s2d, w_d2s):
    deg_spec = pl.BlockSpec((BLK, 1), lambda i: (i, 0))
    w_spec = pl.BlockSpec((D, D), lambda i: (0, 0))
    return pl.pallas_call(
        _fin_body,
        grid=(N // BLK,),
        in_specs=[_row_spec(), _row_spec(), _row_spec(), deg_spec, deg_spec,
                  w_spec, w_spec],
        out_specs=_row_spec(),
        out_shape=jax.ShapeDtypeStruct((N, D), jnp.float32),
    )(base, s0, s1, d0, d1, w_s2d, w_d2s)


def kernel(x, edge_index, W_self, b_self, W_s2d, b_s2d, W_d2s, b_d2s):
    edge_flat = edge_index.reshape(2 * E)
    base = _self_part(x, W_self, b_self, b_s2d, b_d2s)
    sums, degs = _sc_aggregate(x, edge_flat)
    d2 = degs.reshape(NUM_CORES, NPAD)
    return _finalize(base, sums[0], sums[1],
                     d2[0, :N].reshape(N, 1), d2[1, :N].reshape(N, 1),
                     W_s2d, W_d2s)

# --- scband reference (transcript-rebuilt; emitter-appended) ---
"""Pipeline reference for scband-dir-sage-conv-57432302682548 (READ-ONLY COPY).

The authoritative reference and input builder live on the scoring server;
editing this copy changes nothing except your own understanding.
"""

import jax, jax.numpy as jnp
import numpy as np

N = 10000
E = 320000
D_IN = 128
D_OUT = 128
ALPHA = 0.5


def setup_inputs(seed: int = 0) -> dict:
    key = jax.random.key(seed)
    ks = jax.random.split(key, 8)
    x = jax.random.normal(ks[0], (N, D_IN), dtype=jnp.float32)
    edge_index = jax.random.randint(ks[1], (2, E), 0, N, dtype=jnp.int32)
    # lin_self (with bias)
    W_self = jax.random.normal(ks[2], (D_IN, D_OUT), dtype=jnp.float32) * 0.05
    b_self = jax.random.normal(ks[3], (D_OUT,), dtype=jnp.float32) * 0.05
    # SAGEConv src->dst: lin_l applied to mean-aggregated neighbors (root_weight=False)
    W_s2d = jax.random.normal(ks[4], (D_IN, D_OUT), dtype=jnp.float32) * 0.05
    b_s2d = jax.random.normal(ks[5], (D_OUT,), dtype=jnp.float32) * 0.05
    # SAGEConv dst->src (flow='target_to_source')
    W_d2s = jax.random.normal(ks[6], (D_IN, D_OUT), dtype=jnp.float32) * 0.05
    b_d2s = jax.random.normal(ks[7], (D_OUT,), dtype=jnp.float32) * 0.05
    return {"x": x, "edge_index": edge_index, "W_self": W_self, "b_self": b_self,
            "W_s2d": W_s2d, "b_s2d": b_s2d, "W_d2s": W_d2s, "b_d2s": b_d2s}


def _mean_aggregate(feat_per_edge, index, num_nodes):
    # scatter-add then divide by in-degree (clamped to 1), matching PyG mean aggr
    summed = jax.ops.segment_sum(feat_per_edge, index, num_segments=num_nodes)
    deg = jax.ops.segment_sum(jnp.ones((feat_per_edge.shape[0],), dtype=feat_per_edge.dtype),
                              index, num_segments=num_nodes)
    deg = jnp.clip(deg, 1.0, None)
    return summed / deg[:, None]


def reference(x, edge_index, W_self, b_self, W_s2d, b_s2d, W_d2s, b_d2s):
    src = edge_index[0]
    dst = edge_index[1]
    num_nodes = x.shape[0]
    # flow='source_to_target': gather x at src, mean-aggregate at dst
    agg_s2d = _mean_aggregate(x[src], dst, num_nodes)
    out_s2d = agg_s2d @ W_s2d + b_s2d
    # flow='target_to_source': gather x at dst, mean-aggregate at src
    agg_d2s = _mean_aggregate(x[dst], src, num_nodes)
    out_d2s = agg_d2s @ W_d2s + b_d2s
    out_self = x @ W_self + b_self
    return out_self + (1.0 - ALPHA) * out_s2d + ALPHA * out_d2s

if __name__ == "__main__":
    import jax
    _d = setup_inputs()
    print(jax.jit(kernel)(*tuple(_d.values())))

</pallas_src>

<mosaic_0001>
#map = affine_map<(d0, d1) -> (0, 0)>
#map1 = affine_map<(d0, d1) -> (0)>
#map2 = affine_map<(d0, d1) -> (0, 0, 0)>
module attributes {stable_mosaic.version = 14 : i64} {
  func.func @_sc_body(%arg0: i32, %arg1: i32, %arg2: memref<10000x128xf32, #tpu.memory_space<hbm>>, %arg3: memref<640000xi32, #tpu.memory_space<hbm>>, %arg4: memref<2x10240x128xf32, #tpu.memory_space<hbm>>, %arg5: memref<20480xf32, #tpu.memory_space<hbm>>, %arg6: memref<128xi32, #tpu.memory_space<vmem>>, %arg7: memref<128xi32, #tpu.memory_space<vmem>>, %arg8: memref<128xi32, #tpu.memory_space<vmem>>, %arg9: memref<128xi32, #tpu.memory_space<vmem>>, %arg10: memref<128xi32, #tpu.memory_space<vmem>>, %arg11: memref<128xi32, #tpu.memory_space<vmem>>, %arg12: memref<128xi32, #tpu.memory_space<vmem>>, %arg13: memref<128xi32, #tpu.memory_space<vmem>>, %arg14: memref<128x128xf32, #tpu.memory_space<vmem>>, %arg15: memref<128x128xf32, #tpu.memory_space<vmem>>, %arg16: memref<128xf32, #tpu.memory_space<vmem>>, %arg17: memref<640xf32, #tpu.memory_space<vmem>>, %arg18: memref<32xi32, #tpu.memory_space<vmem>>, %arg19: memref<32xi32, #tpu.memory_space<vmem>>, %arg20: memref<10240x128xf32, #tpu.memory_space<vmem_shared>>, %arg21: memref<10240xf32, #tpu.memory_space<vmem_shared>>, %arg22: memref<!tpu.dma_semaphore, #tpu.memory_space<semaphore_mem>>, %arg23: memref<!tpu.dma_semaphore, #tpu.memory_space<semaphore_mem>>, %arg24: memref<!tpu.dma_semaphore, #tpu.memory_space<semaphore_mem>>, %arg25: memref<!tpu.dma_semaphore, #tpu.memory_space<semaphore_mem>>, %arg26: memref<!tpu.dma_semaphore, #tpu.memory_space<semaphore_mem>>, %arg27: memref<!tpu.dma_semaphore, #tpu.memory_space<semaphore_mem>>, %arg28: memref<!tpu.dma_semaphore, #tpu.memory_space<semaphore_mem>>, %arg29: memref<!tpu.dma_semaphore, #tpu.memory_space<semaphore_mem>>, %arg30: memref<!tpu.dma_semaphore, #tpu.memory_space<semaphore_mem>>, %arg31: memref<!tpu.dma_semaphore, #tpu.memory_space<semaphore_mem>>) attributes {dimension_semantics = [#tpu.dimension_semantics<core_parallel>, #tpu.dimension_semantics<subcore_parallel>], iteration_bounds = array<i64: 2, 16>, scalar_prefetch = 0 : i64, scratch_operands = 26 : i64, tpu.core_type = #tpu.core_type<sc_vector_subcore>, window_params = [{transform_indices = #map}, {transform_indices = #map1}, {transform_indices = #map2}, {transform_indices = #map1}]} {
    %mul3A = arith.constant 320000 : i32
    %mul3A_0 = arith.muli %arg0, %mul3A : i32
    %sub3A = arith.constant 1 : i32
    %sub3A_1 = arith.subi %sub3A, %arg0 : i32
    %mul3A_2 = arith.constant 320000 : i32
    %mul3A_3 = arith.muli %sub3A_1, %mul3A_2 : i32
    %broadcast_in_dim3A = arith.constant 0.000000e+00 : f32
    %broadcast_in_dim3A_4 = vector.broadcast %broadcast_in_dim3A : f32 to vector<16xf32>
    %broadcast_in_dim3A_5 = arith.constant 1.000000e+00 : f32
    %broadcast_in_dim3A_6 = vector.broadcast %broadcast_in_dim3A_5 : f32 to vector<16xf32>
    %scan3A = arith.constant 0 : i32
    %scan3A_7 = arith.constant 0 : i32
    %scan3A_8 = arith.constant 128 : i32
    %scan3A_9 = arith.addi %scan3A_7, %scan3A_8 : i32
    %scan3A_10 = arith.constant 1 : i32
    scf.for %scan3A_208 = %scan3A_7 to %scan3A_9 step %scan3A_10  : i32 {
      %swap3A = arith.index_cast %scan3A_208 : i32 to index
      %swap3A_209 = arith.constant 0 : index
      %swap3A_210 = tpu.vector_load %arg14[%swap3A, %swap3A_209] {strides = array<i32>} : memref<128x128xf32, #tpu.memory_space<vmem>>, vector<1x16xf32>,
      %swap3A_211 = vector.shape_cast %swap3A_210 : vector<1x16xf32> to vector<16xf32>
      %swap3A_212 = vector.shape_cast %broadcast_in_dim3A_4 : vector<16xf32> to vector<1x16xf32>
      tpu.vector_store %arg14[%swap3A, %swap3A_209], %swap3A_212 {strides = array<i32>} : memref<128x128xf32, #tpu.memory_space<vmem>>, vector<1x16xf32>,
      %swap3A_213 = arith.index_cast %scan3A_208 : i32 to index
      %swap3A_214 = arith.constant 16 : index
      %swap3A_215 = tpu.vector_load %arg14[%swap3A_213, %swap3A_214] {strides = array<i32>} : memref<128x128xf32, #tpu.memory_space<vmem>>, vector<1x16xf32>,
      %swap3A_216 = vector.shape_cast %swap3A_215 : vector<1x16xf32> to vector<16xf32>
      %swap3A_217 = vector.shape_cast %broadcast_in_dim3A_4 : vector<16xf32> to vector<1x16xf32>
      tpu.vector_store %arg14[%swap3A_213, %swap3A_214], %swap3A_217 {strides = array<i32>} : memref<128x128xf32, #tpu.memory_space<vmem>>, vector<1x16xf32>,
      %swap3A_218 = arith.index_cast %scan3A_208 : i32 to index
      %swap3A_219 = arith.constant 32 : index
      %swap3A_220 = tpu.vector_load %arg14[%swap3A_218, %swap3A_219] {strides = array<i32>} : memref<128x128xf32, #tpu.memory_space<vmem>>, vector<1x16xf32>,
      %swap3A_221 = vector.shape_cast %swap3A_220 : vector<1x16xf32> to vector<16xf32>
      %swap3A_222 = vector.shape_cast %broadcast_in_dim3A_4 : vector<16xf32> to vector<1x16xf32>
      tpu.vector_store %arg14[%swap3A_218, %swap3A_219], %swap3A_222 {strides = array<i32>} : memref<128x128xf32, #tpu.memory_space<vmem>>, vector<1x16xf32>,
      %swap3A_223 = arith.index_cast %scan3A_208 : i32 to index
      %swap3A_224 = arith.constant 48 : index
      %swap3A_225 = tpu.vector_load %arg14[%swap3A_223, %swap3A_224] {strides = array<i32>} : memref<128x128xf32, #tpu.memory_space<vmem>>, vector<1x16xf32>,
      %swap3A_226 = vector.shape_cast %swap3A_225 : vector<1x16xf32> to vector<16xf32>
      %swap3A_227 = vector.shape_cast %broadcast_in_dim3A_4 : vector<16xf32> to vector<1x16xf32>
      tpu.vector_store %arg14[%swap3A_223, %swap3A_224], %swap3A_227 {strides = array<i32>} : memref<128x128xf32, #tpu.memory_space<vmem>>, vector<1x16xf32>,
      %swap3A_228 = arith.index_cast %scan3A_208 : i32 to index
      %swap3A_229 = arith.constant 64 : index
      %swap3A_230 = tpu.vector_load %arg14[%swap3A_228, %swap3A_229] {strides = array<i32>} : memref<128x128xf32, #tpu.memory_space<vmem>>, vector<1x16xf32>,
      %swap3A_231 = vector.shape_cast %swap3A_230 : vector<1x16xf32> to vector<16xf32>
      %swap3A_232 = vector.shape_cast %broadcast_in_dim3A_4 : vector<16xf32> to vector<1x16xf32>
      tpu.vector_store %arg14[%swap3A_228, %swap3A_229], %swap3A_232 {strides = array<i32>} : memref<128x128xf32, #tpu.memory_space<vmem>>, vector<1x16xf32>,
      %swap3A_233 = arith.index_cast %scan3A_208 : i32 to index
      %swap3A_234 = arith.constant 80 : index
      %swap3A_235 = tpu.vector_load %arg14[%swap3A_233, %swap3A_234] {strides = array<i32>} : memref<128x128xf32, #tpu.memory_space<vmem>>, vector<1x16xf32>,
      %swap3A_236 = vector.shape_cast %swap3A_235 : vector<1x16xf32> to vector<16xf32>
      %swap3A_237 = vector.shape_cast %broadcast_in_dim3A_4 : vector<16xf32> to vector<1x16xf32>
      tpu.vector_store %arg14[%swap3A_233, %swap3A_234], %swap3A_237 {strides = array<i32>} : memref<128x128xf32, #tpu.memory_space<vmem>>, vector<1x16xf32>,
      %swap3A_238 = arith.index_cast %scan3A_208 : i32 to index
      %swap3A_239 = arith.constant 96 : index
      %swap3A_240 = tpu.vector_load %arg14[%swap3A_238, %swap3A_239] {strides = array<i32>} : memref<128x128xf32, #tpu.memory_space<vmem>>, vector<1x16xf32>,
      %swap3A_241 = vector.shape_cast %swap3A_240 : vector<1x16xf32> to vector<16xf32>
      %swap3A_242 = vector.shape_cast %broadcast_in_dim3A_4 : vector<16xf32> to vector<1x16xf32>
      tpu.vector_store %arg14[%swap3A_238, %swap3A_239], %swap3A_242 {strides = array<i32>} : memref<128x128xf32, #tpu.memory_space<vmem>>, vector<1x16xf32>,
      %swap3A_243 = arith.index_cast %scan3A_208 : i32 to index
      %swap3A_244 = arith.constant 112 : index
      %swap3A_245 = tpu.vector_load %arg14[%swap3A_243, %swap3A_244] {strides = array<i32>} : memref<128x128xf32, #tpu.memory_space<vmem>>, vector<1x16xf32>,
      %swap3A_246 = vector.shape_cast %swap3A_245 : vector<1x16xf32> to vector<16xf32>
      %swap3A_247 = vector.shape_cast %broadcast_in_dim3A_4 : vector<16xf32> to vector<1x16xf32>
      tpu.vector_store %arg14[%swap3A_243, %swap3A_244], %swap3A_247 {strides = array<i32>} : memref<128x128xf32, #tpu.memory_space<vmem>>, vector<1x16xf32>,
    }
    %scan3A_11 = arith.constant 128 : i32
    %scan3A_12 = arith.constant 0 : i32
    %scan3A_13 = arith.constant 0 : i32
    %scan3A_14 = arith.constant 40 : i32
    %scan3A_15 = arith.addi %scan3A_13, %scan3A_14 : i32
    %scan3A_16 = arith.constant 1 : i32
    scf.for %scan3A_208 = %scan3A_13 to %scan3A_15 step %scan3A_16  : i32 {
      %mul3A_209 = arith.constant 16 : i32
      %mul3A_210 = arith.muli %scan3A_208, %mul3A_209 : i32
      %swap3A = arith.index_cast %mul3A_210 : i32 to index
      %swap3A_211 = tpu.vector_load %arg17[%swap3A] {strides = array<i32>} : memref<640xf32, #tpu.memory_space<vmem>>, vector<16xf32>,
      %swap3A_212 = vector.shape_cast %swap3A_211 : vector<16xf32> to vector<16xf32>
      %swap3A_213 = vector.shape_cast %broadcast_in_dim3A_4 : vector<16xf32> to vector<16xf32>
      tpu.vector_store %arg17[%swap3A], %swap3A_213 {strides = array<i32>} : memref<640xf32, #tpu.memory_space<vmem>>, vector<16xf32>,
    }
    %scan3A_17 = arith.constant 40 : i32
    %scan3A_18 = arith.constant 0 : i32
    %scan3A_19 = arith.constant 0 : i32
    %scan3A_20 = arith.constant 8 : i32
    %scan3A_21 = arith.addi %scan3A_19, %scan3A_20 : i32
    %scan3A_22 = arith.constant 1 : i32
    scf.for %scan3A_208 = %scan3A_19 to %scan3A_21 step %scan3A_22  : i32 {
      %mul3A_209 = arith.constant 16 : i32
      %mul3A_210 = arith.muli %scan3A_208, %mul3A_209 : i32
      %swap3A = arith.index_cast %mul3A_210 : i32 to index
      %swap3A_211 = tpu.vector_load %arg16[%swap3A] {strides = array<i32>} : memref<128xf32, #tpu.memory_space<vmem>>, vector<16xf32>,
      %swap3A_212 = vector.shape_cast %swap3A_211 : vector<16xf32> to vector<16xf32>
      %swap3A_213 = vector.shape_cast %broadcast_in_dim3A_6 : vector<16xf32> to vector<16xf32>
      tpu.vector_store %arg16[%swap3A], %swap3A_213 {strides = array<i32>} : memref<128xf32, #tpu.memory_space<vmem>>, vector<16xf32>,
    }
    %scan3A_23 = arith.constant 8 : i32
    %mul3A_24 = arith.constant 640 : i32
    %mul3A_25 = arith.muli %arg1, %mul3A_24 : i32
    %multiple_of3A = tpu.assume_multiple %mul3A_25, 8 : i32
    %add3A = arith.constant 0 : i32
    %add3A_26 = arith.addi %multiple_of3A, %add3A : i32
    "tpu.region"() ({
      %run_scoped3A = tpu.sem_alloc : memref<!tpu.dma_semaphore, #tpu.memory_space<semaphore_mem>>
      %dma_start3A_208 = arith.constant 0 : i32
      %dma_start3A_209 = tpu.memref_slice %arg20[%add3A_26, %dma_start3A_208] : memref<10240x128xf32, #tpu.memory_space<vmem_shared>> -> memref<128x128xf32, #tpu.memory_space<vmem_shared>>
      %dma_start3A_210 = arith.constant 0 : i32
      %dma_start3A_211 = tpu.memref_slice %arg20[%add3A_26, %dma_start3A_210] : memref<10240x128xf32, #tpu.memory_space<vmem_shared>> -> memref<128x128xf32, #tpu.memory_space<vmem_shared>>
      tpu.enqueue_dma source(%arg14 : memref<128x128xf32, #tpu.memory_space<vmem>>) target(%dma_start3A_211 : memref<128x128xf32, #tpu.memory_space<vmem_shared>>) target_semaphore(%run_scoped3A : memref<!tpu.dma_semaphore, #tpu.memory_space<semaphore_mem>>)
      %dma_wait3A_212 = arith.constant 0 : i32
      %dma_wait3A_213 = tpu.memref_slice %arg20[%add3A_26, %dma_wait3A_212] : memref<10240x128xf32, #tpu.memory_space<vmem_shared>> -> memref<128x128xf32, #tpu.memory_space<vmem_shared>>
      %dma_wait3A_214 = arith.constant 0 : i32
      %dma_wait3A_215 = tpu.memref_slice %arg20[%add3A_26, %dma_wait3A_214] : memref<10240x128xf32, #tpu.memory_space<vmem_shared>> -> memref<128x128xf32, #tpu.memory_space<vmem_shared>>
      tpu.wait_dma2 semaphore(%run_scoped3A : memref<!tpu.dma_semaphore, #tpu.memory_space<semaphore_mem>>) src(%arg14 : memref<128x128xf32, #tpu.memory_space<vmem>>) dst(%dma_wait3A_215 : memref<128x128xf32, #tpu.memory_space<vmem_shared>>)
      tpu.yield
    }) : () -> ()
    %add3A_27 = arith.constant 128 : i32
    %add3A_28 = arith.addi %multiple_of3A, %add3A_27 : i32
    "tpu.region"() ({
      %run_scoped3A = tpu.sem_alloc : memref<!tpu.dma_semaphore, #tpu.memory_space<semaphore_mem>>
      %dma_start3A_208 = arith.constant 0 : i32
      %dma_start3A_209 = tpu.memref_slice %arg20[%add3A_28, %dma_start3A_208] : memref<10240x128xf32, #tpu.memory_space<vmem_shared>> -> memref<128x128xf32, #tpu.memory_space<vmem_shared>>
      %dma_start3A_210 = arith.constant 0 : i32
      %dma_start3A_211 = tpu.memref_slice %arg20[%add3A_28, %dma_start3A_210] : memref<10240x128xf32, #tpu.memory_space<vmem_shared>> -> memref<128x128xf32, #tpu.memory_space<vmem_shared>>
      tpu.enqueue_dma source(%arg14 : memref<128x128xf32, #tpu.memory_space<vmem>>) target(%dma_start3A_211 : memref<128x128xf32, #tpu.memory_space<vmem_shared>>) target_semaphore(%run_scoped3A : memref<!tpu.dma_semaphore, #tpu.memory_space<semaphore_mem>>)
      %dma_wait3A_212 = arith.constant 0 : i32
      %dma_wait3A_213 = tpu.memref_slice %arg20[%add3A_28, %dma_wait3A_212] : memref<10240x128xf32, #tpu.memory_space<vmem_shared>> -> memref<128x128xf32, #tpu.memory_space<vmem_shared>>
      %dma_wait3A_214 = arith.constant 0 : i32
      %dma_wait3A_215 = tpu.memref_slice %arg20[%add3A_28, %dma_wait3A_214] : memref<10240x128xf32, #tpu.memory_space<vmem_shared>> -> memref<128x128xf32, #tpu.memory_space<vmem_shared>>
      tpu.wait_dma2 semaphore(%run_scoped3A : memref<!tpu.dma_semaphore, #tpu.memory_space<semaphore_mem>>) src(%arg14 : memref<128x128xf32, #tpu.memory_space<vmem>>) dst(%dma_wait3A_215 : memref<128x128xf32, #tpu.memory_space<vmem_shared>>)
      tpu.yield
    }) : () -> ()
    %add3A_29 = arith.constant 256 : i32
    %add3A_30 = arith.addi %multiple_of3A, %add3A_29 : i32
    "tpu.region"() ({
      %run_scoped3A = tpu.sem_alloc : memref<!tpu.dma_semaphore, #tpu.memory_space<semaphore_mem>>
      %dma_start3A_208 = arith.constant 0 : i32
      %dma_start3A_209 = tpu.memref_slice %arg20[%add3A_30, %dma_start3A_208] : memref<10240x128xf32, #tpu.memory_space<vmem_shared>> -> memref<128x128xf32, #tpu.memory_space<vmem_shared>>
      %dma_start3A_210 = arith.constant 0 : i32
      %dma_start3A_211 = tpu.memref_slice %arg20[%add3A_30, %dma_start3A_210] : memref<10240x128xf32, #tpu.memory_space<vmem_shared>> -> memref<128x128xf32, #tpu.memory_space<vmem_shared>>
      tpu.enqueue_dma source(%arg14 : memref<128x128xf32, #tpu.memory_space<vmem>>) target(%dma_start3A_211 : memref<128x128xf32, #tpu.memory_space<vmem_shared>>) target_semaphore(%run_scoped3A : memref<!tpu.dma_semaphore, #tpu.memory_space<semaphore_mem>>)
      %dma_wait3A_212 = arith.constant 0 : i32
      %dma_wait3A_213 = tpu.memref_slice %arg20[%add3A_30, %dma_wait3A_212] : memref<10240x128xf32, #tpu.memory_space<vmem_shared>> -> memref<128x128xf32, #tpu.memory_space<vmem_shared>>
      %dma_wait3A_214 = arith.constant 0 : i32
      %dma_wait3A_215 = tpu.memref_slice %arg20[%add3A_30, %dma_wait3A_214] : memref<10240x128xf32, #tpu.memory_space<vmem_shared>> -> memref<128x128xf32, #tpu.memory_space<vmem_shared>>
      tpu.wait_dma2 semaphore(%run_scoped3A : memref<!tpu.dma_semaphore, #tpu.memory_space<semaphore_mem>>) src(%arg14 : memref<128x128xf32, #tpu.memory_space<vmem>>) dst(%dma_wait3A_215 : memref<128x128xf32, #tpu.memory_space<vmem_shared>>)
      tpu.yield
    }) : () -> ()
    %add3A_31 = arith.constant 384 : i32
    %add3A_32 = arith.addi %multiple_of3A, %add3A_31 : i32
    "tpu.region"() ({
      %run_scoped3A = tpu.sem_alloc : memref<!tpu.dma_semaphore, #tpu.memory_space<semaphore_mem>>
      %dma_start3A_208 = arith.constant 0 : i32
      %dma_start3A_209 = tpu.memref_slice %arg20[%add3A_32, %dma_start3A_208] : memref<10240x128xf32, #tpu.memory_space<vmem_shared>> -> memref<128x128xf32, #tpu.memory_space<vmem_shared>>
      %dma_start3A_210 = arith.constant 0 : i32
      %dma_start3A_211 = tpu.memref_slice %arg20[%add3A_32, %dma_start3A_210] : memref<10240x128xf32, #tpu.memory_space<vmem_shared>> -> memref<128x128xf32, #tpu.memory_space<vmem_shared>>
      tpu.enqueue_dma source(%arg14 : memref<128x128xf32, #tpu.memory_space<vmem>>) target(%dma_start3A_211 : memref<128x128xf32, #tpu.memory_space<vmem_shared>>) target_semaphore(%run_scoped3A : memref<!tpu.dma_semaphore, #tpu.memory_space<semaphore_mem>>)
      %dma_wait3A_212 = arith.constant 0 : i32
      %dma_wait3A_213 = tpu.memref_slice %arg20[%add3A_32, %dma_wait3A_212] : memref<10240x128xf32, #tpu.memory_space<vmem_shared>> -> memref<128x128xf32, #tpu.memory_space<vmem_shared>>
      %dma_wait3A_214 = arith.constant 0 : i32
      %dma_wait3A_215 = tpu.memref_slice %arg20[%add3A_32, %dma_wait3A_214] : memref<10240x128xf32, #tpu.memory_space<vmem_shared>> -> memref<128x128xf32, #tpu.memory_space<vmem_shared>>
      tpu.wait_dma2 semaphore(%run_scoped3A : memref<!tpu.dma_semaphore, #tpu.memory_space<semaphore_mem>>) src(%arg14 : memref<128x128xf32, #tpu.memory_space<vmem>>) dst(%dma_wait3A_215 : memref<128x128xf32, #tpu.memory_space<vmem_shared>>)
      tpu.yield
    }) : () -> ()
    %add3A_33 = arith.constant 512 : i32
    %add3A_34 = arith.addi %multiple_of3A, %add3A_33 : i32
    "tpu.region"() ({
      %run_scoped3A = tpu.sem_alloc : memref<!tpu.dma_semaphore, #tpu.memory_space<semaphore_mem>>
      %dma_start3A_208 = arith.constant 0 : i32
      %dma_start3A_209 = tpu.memref_slice %arg20[%add3A_34, %dma_start3A_208] : memref<10240x128xf32, #tpu.memory_space<vmem_shared>> -> memref<128x128xf32, #tpu.memory_space<vmem_shared>>
      %dma_start3A_210 = arith.constant 0 : i32
      %dma_start3A_211 = tpu.memref_slice %arg20[%add3A_34, %dma_start3A_210] : memref<10240x128xf32, #tpu.memory_space<vmem_shared>> -> memref<128x128xf32, #tpu.memory_space<vmem_shared>>
      tpu.enqueue_dma source(%arg14 : memref<128x128xf32, #tpu.memory_space<vmem>>) target(%dma_start3A_211 : memref<128x128xf32, #tpu.memory_space<vmem_shared>>) target_semaphore(%run_scoped3A : memref<!tpu.dma_semaphore, #tpu.memory_space<semaphore_mem>>)
      %dma_wait3A_212 = arith.constant 0 : i32
      %dma_wait3A_213 = tpu.memref_slice %arg20[%add3A_34, %dma_wait3A_212] : memref<10240x128xf32, #tpu.memory_space<vmem_shared>> -> memref<128x128xf32, #tpu.memory_space<vmem_shared>>
      %dma_wait3A_214 = arith.constant 0 : i32
      %dma_wait3A_215 = tpu.memref_slice %arg20[%add3A_34, %dma_wait3A_214] : memref<10240x128xf32, #tpu.memory_space<vmem_shared>> -> memref<128x128xf32, #tpu.memory_space<vmem_shared>>
      tpu.wait_dma2 semaphore(%run_scoped3A : memref<!tpu.dma_semaphore, #tpu.memory_space<semaphore_mem>>) src(%arg14 : memref<128x128xf32, #tpu.memory_space<vmem>>) dst(%dma_wait3A_215 : memref<128x128xf32, #tpu.memory_space<vmem_shared>>)
      tpu.yield
    }) : () -> ()
    "tpu.region"() ({
      %run_scoped3A = tpu.sem_alloc : memref<!tpu.dma_semaphore, #tpu.memory_space<semaphore_mem>>
      %dma_start3A_208 = tpu.memref_slice %arg21[%multiple_of3A] : memref<10240xf32, #tpu.memory_space<vmem_shared>> -> memref<640xf32, #tpu.memory_space<vmem_shared>>
      %dma_start3A_209 = tpu.memref_slice %arg21[%multiple_of3A] : memref<10240xf32, #tpu.memory_space<vmem_shared>> -> memref<640xf32, #tpu.memory_space<vmem_shared>>
      tpu.enqueue_dma source(%arg17 : memref<640xf32, #tpu.memory_space<vmem>>) target(%dma_start3A_209 : memref<640xf32, #tpu.memory_space<vmem_shared>>) target_semaphore(%run_scoped3A : memref<!tpu.dma_semaphore, #tpu.memory_space<semaphore_mem>>)
      %dma_wait3A_210 = tpu.memref_slice %arg21[%multiple_of3A] : memref<10240xf32, #tpu.memory_space<vmem_shared>> -> memref<640xf32, #tpu.memory_space<vmem_shared>>
      %dma_wait3A_211 = tpu.memref_slice %arg21[%multiple_of3A] : memref<10240xf32, #tpu.memory_space<vmem_shared>> -> memref<640xf32, #tpu.memory_space<vmem_shared>>
      tpu.wait_dma2 semaphore(%run_scoped3A : memref<!tpu.dma_semaphore, #tpu.memory_space<semaphore_mem>>) src(%arg17 : memref<640xf32, #tpu.memory_space<vmem>>) dst(%dma_wait3A_211 : memref<640xf32, #tpu.memory_space<vmem_shared>>)
      tpu.yield
    }) : () -> ()
    %barrier3A = arith.constant 0 : index
    tpu.barrier barrier_id(%barrier3A)
    %mul3A_35 = arith.constant 20000 : i32
    %mul3A_36 = arith.muli %arg1, %mul3A_35 : i32
    %add3A_37 = arith.addi %mul3A_0, %mul3A_36 : i32
    %add3A_38 = arith.constant 0 : i32
    %add3A_39 = arith.addi %add3A_37, %add3A_38 : i32
    %multiple_of3A_40 = tpu.assume_multiple %add3A_39, 8 : i32
    "tpu.region"() ({
      %run_scoped3A = tpu.sem_alloc : memref<!tpu.dma_semaphore, #tpu.memory_space<semaphore_mem>>
      %dma_start3A_208 = tpu.memref_slice %arg3[%multiple_of3A_40] : memref<640000xi32, #tpu.memory_space<hbm>> -> memref<128xi32, #tpu.memory_space<hbm>>
      %dma_start3A_209 = tpu.memref_slice %arg3[%multiple_of3A_40] : memref<640000xi32, #tpu.memory_space<hbm>> -> memref<128xi32, #tpu.memory_space<hbm>>
      tpu.enqueue_dma source(%dma_start3A_209 : memref<128xi32, #tpu.memory_space<hbm>>) target(%arg6 : memref<128xi32, #tpu.memory_space<vmem>>) target_semaphore(%run_scoped3A : memref<!tpu.dma_semaphore, #tpu.memory_space<semaphore_mem>>)
      %dma_wait3A_210 = tpu.memref_slice %arg3[%multiple_of3A_40] : memref<640000xi32, #tpu.memory_space<hbm>> -> memref<128xi32, #tpu.memory_space<hbm>>
      %dma_wait3A_211 = tpu.memref_slice %arg3[%multiple_of3A_40] : memref<640000xi32, #tpu.memory_space<hbm>> -> memref<128xi32, #tpu.memory_space<hbm>>
      tpu.wait_dma2 semaphore(%run_scoped3A : memref<!tpu.dma_semaphore, #tpu.memory_space<semaphore_mem>>) src(%dma_wait3A_211 : memref<128xi32, #tpu.memory_space<hbm>>) dst(%arg6 : memref<128xi32, #tpu.memory_space<vmem>>)
      tpu.yield
    }) : () -> ()
    %add3A_41 = arith.addi %mul3A_3, %mul3A_36 : i32
    %add3A_42 = arith.constant 0 : i32
    %add3A_43 = arith.addi %add3A_41, %add3A_42 : i32
    %multiple_of3A_44 = tpu.assume_multiple %add3A_43, 8 : i32
    "tpu.region"() ({
      %run_scoped3A = tpu.sem_alloc : memref<!tpu.dma_semaphore, #tpu.memory_space<semaphore_mem>>
      %dma_start3A_208 = tpu.memref_slice %arg3[%multiple_of3A_44] : memref<640000xi32, #tpu.memory_space<hbm>> -> memref<128xi32, #tpu.memory_space<hbm>>
      %dma_start3A_209 = tpu.memref_slice %arg3[%multiple_of3A_44] : memref<640000xi32, #tpu.memory_space<hbm>> -> memref<128xi32, #tpu.memory_space<hbm>>
      tpu.enqueue_dma source(%dma_start3A_209 : memref<128xi32, #tpu.memory_space<hbm>>) target(%arg7 : memref<128xi32, #tpu.memory_space<vmem>>) target_semaphore(%run_scoped3A : memref<!tpu.dma_semaphore, #tpu.memory_space<semaphore_mem>>)
      %dma_wait3A_210 = tpu.memref_slice %arg3[%multiple_of3A_44] : memref<640000xi32, #tpu.memory_space<hbm>> -> memref<128xi32, #tpu.memory_space<hbm>>
      %dma_wait3A_211 = tpu.memref_slice %arg3[%multiple_of3A_44] : memref<640000xi32, #tpu.memory_space<hbm>> -> memref<128xi32, #tpu.memory_space<hbm>>
      tpu.wait_dma2 semaphore(%run_scoped3A : memref<!tpu.dma_semaphore, #tpu.memory_space<semaphore_mem>>) src(%dma_wait3A_211 : memref<128xi32, #tpu.memory_space<hbm>>) dst(%arg7 : memref<128xi32, #tpu.memory_space<vmem>>)
      tpu.yield
    }) : () -> ()
    %dma_start3A = arith.constant 0 : i32
    %dma_start3A_45 = arith.constant 0 : i32
    %dma_start3A_46 = tpu.memref_slice %arg2[%dma_start3A, %dma_start3A_45] : memref<10000x128xf32, #tpu.memory_space<hbm>> -> memref<10000x128xf32, #tpu.memory_space<hbm>>
    tpu.enqueue_indirect_dma source(%dma_start3A_46 : memref<10000x128xf32, #tpu.memory_space<hbm>>) target(%arg14 : memref<128x128xf32, #tpu.memory_space<vmem>>) offsets(%arg6 : memref<128xi32, #tpu.memory_space<vmem>>) semaphore(%arg22 : memref<!tpu.dma_semaphore, #tpu.memory_space<semaphore_mem>>)
    %add3A_47 = arith.addi %mul3A_0, %mul3A_36 : i32
    %add3A_48 = arith.constant 128 : i32
    %add3A_49 = arith.addi %add3A_47, %add3A_48 : i32
    %multiple_of3A_50 = tpu.assume_multiple %add3A_49, 8 : i32
    %dma_start3A_51 = tpu.memref_slice %arg3[%multiple_of3A_50] : memref<640000xi32, #tpu.memory_space<hbm>> -> memref<128xi32, #tpu.memory_space<hbm>>
    %dma_start3A_52 = tpu.memref_slice %arg3[%multiple_of3A_50] : memref<640000xi32, #tpu.memory_space<hbm>> -> memref<128xi32, #tpu.memory_space<hbm>>
    tpu.enqueue_dma source(%dma_start3A_52 : memref<128xi32, #tpu.memory_space<hbm>>) target(%arg8 : memref<128xi32, #tpu.memory_space<vmem>>) target_semaphore(%arg25 : memref<!tpu.dma_semaphore, #tpu.memory_space<semaphore_mem>>)
    %add3A_53 = arith.addi %mul3A_3, %mul3A_36 : i32
    %add3A_54 = arith.constant 128 : i32
    %add3A_55 = arith.addi %add3A_53, %add3A_54 : i32
    %multiple_of3A_56 = tpu.assume_multiple %add3A_55, 8 : i32
    %dma_start3A_57 = tpu.memref_slice %arg3[%multiple_of3A_56] : memref<640000xi32, #tpu.memory_space<hbm>> -> memref<128xi32, #tpu.memory_space<hbm>>
    %dma_start3A_58 = tpu.memref_slice %arg3[%multiple_of3A_56] : memref<640000xi32, #tpu.memory_space<hbm>> -> memref<128xi32, #tpu.memory_space<hbm>>
    tpu.enqueue_dma source(%dma_start3A_58 : memref<128xi32, #tpu.memory_space<hbm>>) target(%arg9 : memref<128xi32, #tpu.memory_space<vmem>>) target_semaphore(%arg25 : memref<!tpu.dma_semaphore, #tpu.memory_space<semaphore_mem>>)
    %dma_wait3A = arith.constant 0 : i32
    %dma_wait3A_59 = arith.constant 0 : i32
    %dma_wait3A_60 = tpu.memref_slice %arg2[%dma_wait3A, %dma_wait3A_59] : memref<10000x128xf32, #tpu.memory_space<hbm>> -> memref<10000x128xf32, #tpu.memory_space<hbm>>
    tpu.wait_indirect_dma semaphore(%arg22 : memref<!tpu.dma_semaphore, #tpu.memory_space<semaphore_mem>>) src(%dma_wait3A_60 : memref<10000x128xf32, #tpu.memory_space<hbm>>) dst(%arg14 : memref<128x128xf32, #tpu.memory_space<vmem>>)
    %add3A_61 = arith.addi %mul3A_0, %mul3A_36 : i32
    %add3A_62 = arith.constant 0 : i32
    %add3A_63 = arith.addi %add3A_61, %add3A_62 : i32
    %multiple_of3A_64 = tpu.assume_multiple %add3A_63, 8 : i32
    %dma_wait3A_65 = tpu.memref_slice %arg3[%multiple_of3A_64] : memref<640000xi32, #tpu.memory_space<hbm>> -> memref<128xi32, #tpu.memory_space<hbm>>
    %dma_wait3A_66 = tpu.memref_slice %arg3[%multiple_of3A_64] : memref<640000xi32, #tpu.memory_space<hbm>> -> memref<128xi32, #tpu.memory_space<hbm>>
    tpu.wait_dma2 semaphore(%arg25 : memref<!tpu.dma_semaphore, #tpu.memory_space<semaphore_mem>>) src(%dma_wait3A_66 : memref<128xi32, #tpu.memory_space<hbm>>) dst(%arg8 : memref<128xi32, #tpu.memory_space<vmem>>)
    %add3A_67 = arith.addi %mul3A_3, %mul3A_36 : i32
    %add3A_68 = arith.constant 0 : i32
    %add3A_69 = arith.addi %add3A_67, %add3A_68 : i32
    %multiple_of3A_70 = tpu.assume_multiple %add3A_69, 8 : i32
    %dma_wait3A_71 = tpu.memref_slice %arg3[%multiple_of3A_70] : memref<640000xi32, #tpu.memory_space<hbm>> -> memref<128xi32, #tpu.memory_space<hbm>>
    %dma_wait3A_72 = tpu.memref_slice %arg3[%multiple_of3A_70] : memref<640000xi32, #tpu.memory_space<hbm>> -> memref<128xi32, #tpu.memory_space<hbm>>
    tpu.wait_dma2 semaphore(%arg25 : memref<!tpu.dma_semaphore, #tpu.memory_space<semaphore_mem>>) src(%dma_wait3A_72 : memref<128xi32, #tpu.memory_space<hbm>>) dst(%arg9 : memref<128xi32, #tpu.memory_space<vmem>>)
    %dma_start3A_73 = arith.constant 0 : i32
    %dma_start3A_74 = arith.constant 0 : i32
    %dma_start3A_75 = tpu.memref_slice %arg2[%dma_start3A_73, %dma_start3A_74] : memref<10000x128xf32, #tpu.memory_space<hbm>> -> memref<10000x128xf32, #tpu.memory_space<hbm>>
    tpu.enqueue_indirect_dma source(%dma_start3A_75 : memref<10000x128xf32, #tpu.memory_space<hbm>>) target(%arg15 : memref<128x128xf32, #tpu.memory_space<vmem>>) offsets(%arg8 : memref<128xi32, #tpu.memory_space<vmem>>) semaphore(%arg23 : memref<!tpu.dma_semaphore, #tpu.memory_space<semaphore_mem>>)
    %dma_start3A_76 = arith.constant 0 : i32
    %dma_start3A_77 = arith.constant 0 : i32
    %dma_start3A_78 = tpu.memref_slice %arg20[%dma_start3A_76, %dma_start3A_77] : memref<10240x128xf32, #tpu.memory_space<vmem_shared>> -> memref<10240x128xf32, #tpu.memory_space<vmem_shared>>
    tpu.enqueue_indirect_dma source(%arg14 : memref<128x128xf32, #tpu.memory_space<vmem>>) target(%dma_start3A_78 : memref<10240x128xf32, #tpu.memory_space<vmem_shared>>) offsets(%arg7 : memref<128xi32, #tpu.memory_space<vmem>>) semaphore(%arg28 : memref<!tpu.dma_semaphore, #tpu.memory_space<semaphore_mem>>) {add = true}
    %dma_start3A_79 = arith.constant 0 : i32
    %dma_start3A_80 = tpu.memref_slice %arg21[%dma_start3A_79] : memref<10240xf32, #tpu.memory_space<vmem_shared>> -> memref<10240xf32, #tpu.memory_space<vmem_shared>>
    tpu.enqueue_indirect_dma source(%arg16 : memref<128xf32, #tpu.memory_space<vmem>>) target(%dma_start3A_80 : memref<10240xf32, #tpu.memory_space<vmem_shared>>) offsets(%arg7 : memref<128xi32, #tpu.memory_space<vmem>>) semaphore(%arg28 : memref<!tpu.dma_semaphore, #tpu.memory_space<semaphore_mem>>) {add = true}
    %add3A_81 = arith.addi %mul3A_0, %mul3A_36 : i32
    %add3A_82 = arith.constant 256 : i32
    %add3A_83 = arith.addi %add3A_81, %add3A_82 : i32
    %multiple_of3A_84 = tpu.assume_multiple %add3A_83, 8 : i32
    %dma_start3A_85 = tpu.memref_slice %arg3[%multiple_of3A_84] : memref<640000xi32, #tpu.memory_space<hbm>> -> memref<128xi32, #tpu.memory_space<hbm>>
    %dma_start3A_86 = tpu.memref_slice %arg3[%multiple_of3A_84] : memref<640000xi32, #tpu.memory_space<hbm>> -> memref<128xi32, #tpu.memory_space<hbm>>
    tpu.enqueue_dma source(%dma_start3A_86 : memref<128xi32, #tpu.memory_space<hbm>>) target(%arg10 : memref<128xi32, #tpu.memory_space<vmem>>) target_semaphore(%arg26 : memref<!tpu.dma_semaphore, #tpu.memory_space<semaphore_mem>>)
    %add3A_87 = arith.addi %mul3A_3, %mul3A_36 : i32
    %add3A_88 = arith.constant 256 : i32
    %add3A_89 = arith.addi %add3A_87, %add3A_88 : i32
    %multiple_of3A_90 = tpu.assume_multiple %add3A_89, 8 : i32
    %dma_start3A_91 = tpu.memref_slice %arg3[%multiple_of3A_90] : memref<640000xi32, #tpu.memory_space<hbm>> -> memref<128xi32, #tpu.memory_space<hbm>>
    %dma_start3A_92 = tpu.memref_slice %arg3[%multiple_of3A_90] : memref<640000xi32, #tpu.memory_space<hbm>> -> memref<128xi32, #tpu.memory_space<hbm>>
    tpu.enqueue_dma source(%dma_start3A_92 : memref<128xi32, #tpu.memory_space<hbm>>) target(%arg11 : memref<128xi32, #tpu.memory_space<vmem>>) target_semaphore(%arg26 : memref<!tpu.dma_semaphore, #tpu.memory_space<semaphore_mem>>)
    %dma_wait3A_93 = arith.constant 0 : i32
    %dma_wait3A_94 = arith.constant 0 : i32
    %dma_wait3A_95 = tpu.memref_slice %arg2[%dma_wait3A_93, %dma_wait3A_94] : memref<10000x128xf32, #tpu.memory_space<hbm>> -> memref<10000x128xf32, #tpu.memory_space<hbm>>
    tpu.wait_indirect_dma semaphore(%arg23 : memref<!tpu.dma_semaphore, #tpu.memory_space<semaphore_mem>>) src(%dma_wait3A_95 : memref<10000x128xf32, #tpu.memory_space<hbm>>) dst(%arg15 : memref<128x128xf32, #tpu.memory_space<vmem>>)
    %dma_wait3A_96 = arith.constant 0 : i32
    %dma_wait3A_97 = arith.constant 0 : i32
    %dma_wait3A_98 = tpu.memref_slice %arg20[%dma_wait3A_96, %dma_wait3A_97] : memref<10240x128xf32, #tpu.memory_space<vmem_shared>> -> memref<10240x128xf32, #tpu.memory_space<vmem_shared>>
    tpu.wait_indirect_dma semaphore(%arg28 : memref<!tpu.dma_semaphore, #tpu.memory_space<semaphore_mem>>) src(%arg14 : memref<128x128xf32, #tpu.memory_space<vmem>>) dst(%dma_wait3A_98 : memref<10240x128xf32, #tpu.memory_space<vmem_shared>>)
    %dma_wait3A_99 = arith.constant 0 : i32
    %dma_wait3A_100 = tpu.memref_slice %arg21[%dma_wait3A_99] : memref<10240xf32, #tpu.memory_space<vmem_shared>> -> memref<10240xf32, #tpu.memory_space<vmem_shared>>
    tpu.wait_indirect_dma semaphore(%arg28 : memref<!tpu.dma_semaphore, #tpu.memory_space<semaphore_mem>>) src(%arg16 : memref<128xf32, #tpu.memory_space<vmem>>) dst(%dma_wait3A_100 : memref<10240xf32, #tpu.memory_space<vmem_shared>>)
    %add3A_101 = arith.addi %mul3A_0, %mul3A_36 : i32
    %add3A_102 = arith.constant 0 : i32
    %add3A_103 = arith.addi %add3A_101, %add3A_102 : i32
    %multiple_of3A_104 = tpu.assume_multiple %add3A_103, 8 : i32
    %dma_wait3A_105 = tpu.memref_slice %arg3[%multiple_of3A_104] : memref<640000xi32, #tpu.memory_space<hbm>> -> memref<128xi32, #tpu.memory_space<hbm>>
    %dma_wait3A_106 = tpu.memref_slice %arg3[%multiple_of3A_104] : memref<640000xi32, #tpu.memory_space<hbm>> -> memref<128xi32, #tpu.memory_space<hbm>>
    tpu.wait_dma2 semaphore(%arg26 : memref<!tpu.dma_semaphore, #tpu.memory_space<semaphore_mem>>) src(%dma_wait3A_106 : memref<128xi32, #tpu.memory_space<hbm>>) dst(%arg10 : memref<128xi32, #tpu.memory_space<vmem>>)
    %add3A_107 = arith.addi %mul3A_3, %mul3A_36 : i32
    %add3A_108 = arith.constant 0 : i32
    %add3A_109 = arith.addi %add3A_107, %add3A_108 : i32
    %multiple_of3A_110 = tpu.assume_multiple %add3A_109, 8 : i32
    %dma_wait3A_111 = tpu.memref_slice %arg3[%multiple_of3A_110] : memref<640000xi32, #tpu.memory_space<hbm>> -> memref<128xi32, #tpu.memory_space<hbm>>
    %dma_wait3A_112 = tpu.memref_slice %arg3[%multiple_of3A_110] : memref<640000xi32, #tpu.memory_space<hbm>> -> memref<128xi32, #tpu.memory_space<hbm>>
    tpu.wait_dma2 semaphore(%arg26 : memref<!tpu.dma_semaphore, #tpu.memory_space<semaphore_mem>>) src(%dma_wait3A_112 : memref<128xi32, #tpu.memory_space<hbm>>) dst(%arg11 : memref<128xi32, #tpu.memory_space<vmem>>)
    %dma_start3A_113 = arith.constant 0 : i32
    %dma_start3A_114 = arith.constant 0 : i32
    %dma_start3A_115 = tpu.memref_slice %arg2[%dma_start3A_113, %dma_start3A_114] : memref<10000x128xf32, #tpu.memory_space<hbm>> -> memref<10000x128xf32, #tpu.memory_space<hbm>>
    tpu.enqueue_indirect_dma source(%dma_start3A_115 : memref<10000x128xf32, #tpu.memory_space<hbm>>) target(%arg14 : memref<128x128xf32, #tpu.memory_space<vmem>>) offsets(%arg10 : memref<128xi32, #tpu.memory_space<vmem>>) semaphore(%arg22 : memref<!tpu.dma_semaphore, #tpu.memory_space<semaphore_mem>>)
    %dma_start3A_116 = arith.constant 0 : i32
    %dma_start3A_117 = arith.constant 0 : i32
    %dma_start3A_118 = tpu.memref_slice %arg20[%dma_start3A_116, %dma_start3A_117] : memref<10240x128xf32, #tpu.memory_space<vmem_shared>> -> memref<10240x128xf32, #tpu.memory_space<vmem_shared>>
    tpu.enqueue_indirect_dma source(%arg15 : memref<128x128xf32, #tpu.memory_space<vmem>>) target(%dma_start3A_118 : memref<10240x128xf32, #tpu.memory_space<vmem_shared>>) offsets(%arg9 : memref<128xi32, #tpu.memory_space<vmem>>) semaphore(%arg29 : memref<!tpu.dma_semaphore, #tpu.memory_space<semaphore_mem>>) {add = true}
    %dma_start3A_119 = arith.constant 0 : i32
    %dma_start3A_120 = tpu.memref_slice %arg21[%dma_start3A_119] : memref<10240xf32, #tpu.memory_space<vmem_shared>> -> memref<10240xf32, #tpu.memory_space<vmem_shared>>
    tpu.enqueue_indirect_dma source(%arg16 : memref<128xf32, #tpu.memory_space<vmem>>) target(%dma_start3A_120 : memref<10240xf32, #tpu.memory_space<vmem_shared>>) offsets(%arg9 : memref<128xi32, #tpu.memory_space<vmem>>) semaphore(%arg29 : memref<!tpu.dma_semaphore, #tpu.memory_space<semaphore_mem>>) {add = true}
    %add3A_121 = arith.addi %mul3A_0, %mul3A_36 : i32
    %add3A_122 = arith.constant 384 : i32
    %add3A_123 = arith.addi %add3A_121, %add3A_122 : i32
    %multiple_of3A_124 = tpu.assume_multiple %add3A_123, 8 : i32
    %dma_start3A_125 = tpu.memref_slice %arg3[%multiple_of3A_124] : memref<640000xi32, #tpu.memory_space<hbm>> -> memref<128xi32, #tpu.memory_space<hbm>>
    %dma_start3A_126 = tpu.memref_slice %arg3[%multiple_of3A_124] : memref<640000xi32, #tpu.memory_space<hbm>> -> memref<128xi32, #tpu.memory_space<hbm>>
    tpu.enqueue_dma source(%dma_start3A_126 : memref<128xi32, #tpu.memory_space<hbm>>) target(%arg12 : memref<128xi32, #tpu.memory_space<vmem>>) target_semaphore(%arg27 : memref<!tpu.dma_semaphore, #tpu.memory_space<semaphore_mem>>)
    %add3A_127 = arith.addi %mul3A_3, %mul3A_36 : i32
    %add3A_128 = arith.constant 384 : i32
    %add3A_129 = arith.addi %add3A_127, %add3A_128 : i32
    %multiple_of3A_130 = tpu.assume_multiple %add3A_129, 8 : i32
    %dma_start3A_131 = tpu.memref_slice %arg3[%multiple_of3A_130] : memref<640000xi32, #tpu.memory_space<hbm>> -> memref<128xi32, #tpu.memory_space<hbm>>
    %dma_start3A_132 = tpu.memref_slice %arg3[%multiple_of3A_130] : memref<640000xi32, #tpu.memory_space<hbm>> -> memref<128xi32, #tpu.memory_space<hbm>>
    tpu.enqueue_dma source(%dma_start3A_132 : memref<128xi32, #tpu.memory_space<hbm>>) target(%arg13 : memref<128xi32, #tpu.memory_space<vmem>>) target_semaphore(%arg27 : memref<!tpu.dma_semaphore, #tpu.memory_space<semaphore_mem>>)
    %scan3A_133 = arith.constant 0 : i32
    %scan3A_134 = arith.constant 0 : i32
    %scan3A_135 = arith.constant 38 : i32
    %scan3A_136 = arith.addi %scan3A_134, %scan3A_135 : i32
    %scan3A_137 = arith.constant 1 : i32
    scf.for %scan3A_208 = %scan3A_134 to %scan3A_136 step %scan3A_137  : i32 {
      %mul3A_209 = arith.constant 4 : i32
      %mul3A_210 = arith.muli %mul3A_209, %scan3A_208 : i32
      %add3A_211 = arith.constant 2 : i32
      %add3A_212 = arith.addi %mul3A_210, %add3A_211 : i32
      %add3A_213 = arith.constant 0 : i32
      %add3A_214 = arith.addi %add3A_212, %add3A_213 : i32
      %dma_wait3A_215 = arith.constant 0 : i32
      %dma_wait3A_216 = arith.constant 0 : i32
      %dma_wait3A_217 = tpu.memref_slice %arg2[%dma_wait3A_215, %dma_wait3A_216] : memref<10000x128xf32, #tpu.memory_space<hbm>> -> memref<10000x128xf32, #tpu.memory_space<hbm>>
      tpu.wait_indirect_dma semaphore(%arg22 : memref<!tpu.dma_semaphore, #tpu.memory_space<semaphore_mem>>) src(%dma_wait3A_217 : memref<10000x128xf32, #tpu.memory_space<hbm>>) dst(%arg14 : memref<128x128xf32, #tpu.memory_space<vmem>>)
      %dma_wait3A_218 = arith.constant 0 : i32
      %dma_wait3A_219 = arith.constant 0 : i32
      %dma_wait3A_220 = tpu.memref_slice %arg20[%dma_wait3A_218, %dma_wait3A_219] : memref<10240x128xf32, #tpu.memory_space<vmem_shared>> -> memref<10240x128xf32, #tpu.memory_space<vmem_shared>>
      tpu.wait_indirect_dma semaphore(%arg29 : memref<!tpu.dma_semaphore, #tpu.memory_space<semaphore_mem>>) src(%arg15 : memref<128x128xf32, #tpu.memory_space<vmem>>) dst(%dma_wait3A_220 : memref<10240x128xf32, #tpu.memory_space<vmem_shared>>)
      %dma_wait3A_221 = arith.constant 0 : i32
      %dma_wait3A_222 = tpu.memref_slice %arg21[%dma_wait3A_221] : memref<10240xf32, #tpu.memory_space<vmem_shared>> -> memref<10240xf32, #tpu.memory_space<vmem_shared>>
      tpu.wait_indirect_dma semaphore(%arg29 : memref<!tpu.dma_semaphore, #tpu.memory_space<semaphore_mem>>) src(%arg16 : memref<128xf32, #tpu.memory_space<vmem>>) dst(%dma_wait3A_222 : memref<10240xf32, #tpu.memory_space<vmem_shared>>)
      %add3A_223 = arith.addi %mul3A_0, %mul3A_36 : i32
      %add3A_224 = arith.constant 0 : i32
      %add3A_225 = arith.addi %add3A_223, %add3A_224 : i32
      %multiple_of3A_226 = tpu.assume_multiple %add3A_225, 8 : i32
      %dma_wait3A_227 = tpu.memref_slice %arg3[%multiple_of3A_226] : memref<640000xi32, #tpu.memory_space<hbm>> -> memref<128xi32, #tpu.memory_space<hbm>>
      %dma_wait3A_228 = tpu.memref_slice %arg3[%multiple_of3A_226] : memref<640000xi32, #tpu.memory_space<hbm>> -> memref<128xi32, #tpu.memory_space<hbm>>
      tpu.wait_dma2 semaphore(%arg27 : memref<!tpu.dma_semaphore, #tpu.memory_space<semaphore_mem>>) src(%dma_wait3A_228 : memref<128xi32, #tpu.memory_space<hbm>>) dst(%arg12 : memref<128xi32, #tpu.memory_space<vmem>>)
      %add3A_229 = arith.addi %mul3A_3, %mul3A_36 : i32
      %add3A_230 = arith.constant 0 : i32
      %add3A_231 = arith.addi %add3A_229, %add3A_230 : i32
      %multiple_of3A_232 = tpu.assume_multiple %add3A_231, 8 : i32
      %dma_wait3A_233 = tpu.memref_slice %arg3[%multiple_of3A_232] : memref<640000xi32, #tpu.memory_space<hbm>> -> memref<128xi32, #tpu.memory_space<hbm>>
      %dma_wait3A_234 = tpu.memref_slice %arg3[%multiple_of3A_232] : memref<640000xi32, #tpu.memory_space<hbm>> -> memref<128xi32, #tpu.memory_space<hbm>>
      tpu.wait_dma2 semaphore(%arg27 : memref<!tpu.dma_semaphore, #tpu.memory_space<semaphore_mem>>) src(%dma_wait3A_234 : memref<128xi32, #tpu.memory_space<hbm>>) dst(%arg13 : memref<128xi32, #tpu.memory_space<vmem>>)
      %dma_start3A_235 = arith.constant 0 : i32
      %dma_start3A_236 = arith.constant 0 : i32
      %dma_start3A_237 = tpu.memref_slice %arg2[%dma_start3A_235, %dma_start3A_236] : memref<10000x128xf32, #tpu.memory_space<hbm>> -> memref<10000x128xf32, #tpu.memory_space<hbm>>
      tpu.enqueue_indirect_dma source(%dma_start3A_237 : memref<10000x128xf32, #tpu.memory_space<hbm>>) target(%arg15 : memref<128x128xf32, #tpu.memory_space<vmem>>) offsets(%arg12 : memref<128xi32, #tpu.memory_space<vmem>>) semaphore(%arg23 : memref<!tpu.dma_semaphore, #tpu.memory_space<semaphore_mem>>)
      %dma_start3A_238 = arith.constant 0 : i32
      %dma_start3A_239 = arith.constant 0 : i32
      %dma_start3A_240 = tpu.memref_slice %arg20[%dma_start3A_238, %dma_start3A_239] : memref<10240x128xf32, #tpu.memory_space<vmem_shared>> -> memref<10240x128xf32, #tpu.memory_space<vmem_shared>>
      tpu.enqueue_indirect_dma source(%arg14 : memref<128x128xf32, #tpu.memory_space<vmem>>) target(%dma_start3A_240 : memref<10240x128xf32, #tpu.memory_space<vmem_shared>>) offsets(%arg11 : memref<128xi32, #tpu.memory_space<vmem>>) semaphore(%arg30 : memref<!tpu.dma_semaphore, #tpu.memory_space<semaphore_mem>>) {add = true}
      %dma_start3A_241 = arith.constant 0 : i32
      %dma_start3A_242 = tpu.memref_slice %arg21[%dma_start3A_241] : memref<10240xf32, #tpu.memory_space<vmem_shared>> -> memref<10240xf32, #tpu.memory_space<vmem_shared>>
      tpu.enqueue_indirect_dma source(%arg16 : memref<128xf32, #tpu.memory_space<vmem>>) target(%dma_start3A_242 : memref<10240xf32, #tpu.memory_space<vmem_shared>>) offsets(%arg11 : memref<128xi32, #tpu.memory_space<vmem>>) semaphore(%arg30 : memref<!tpu.dma_semaphore, #tpu.memory_space<semaphore_mem>>) {add = true}
      %add3A_243 = arith.constant 2 : i32
      %add3A_244 = arith.addi %add3A_214, %add3A_243 : i32
      %add3A_245 = arith.addi %mul3A_0, %mul3A_36 : i32
      %mul3A_246 = arith.constant 128 : i32
      %mul3A_247 = arith.muli %add3A_244, %mul3A_246 : i32
      %add3A_248 = arith.addi %add3A_245, %mul3A_247 : i32
      %multiple_of3A_249 = tpu.assume_multiple %add3A_248, 8 : i32
      %dma_start3A_250 = tpu.memref_slice %arg3[%multiple_of3A_249] : memref<640000xi32, #tpu.memory_space<hbm>> -> memref<128xi32, #tpu.memory_space<hbm>>
      %dma_start3A_251 = tpu.memref_slice %arg3[%multiple_of3A_249] : memref<640000xi32, #tpu.memory_space<hbm>> -> memref<128xi32, #tpu.memory_space<hbm>>
      tpu.enqueue_dma source(%dma_start3A_251 : memref<128xi32, #tpu.memory_space<hbm>>) target(%arg6 : memref<128xi32, #tpu.memory_space<vmem>>) target_semaphore(%arg24 : memref<!tpu.dma_semaphore, #tpu.memory_space<semaphore_mem>>)
      %add3A_252 = arith.addi %mul3A_3, %mul3A_36 : i32
      %mul3A_253 = arith.constant 128 : i32
      %mul3A_254 = arith.muli %add3A_244, %mul3A_253 : i32
      %add3A_255 = arith.addi %add3A_252, %mul3A_254 : i32
      %multiple_of3A_256 = tpu.assume_multiple %add3A_255, 8 : i32
      %dma_start3A_257 = tpu.memref_slice %arg3[%multiple_of3A_256] : memref<640000xi32, #tpu.memory_space<hbm>> -> memref<128xi32, #tpu.memory_space<hbm>>
      %dma_start3A_258 = tpu.memref_slice %arg3[%multiple_of3A_256] : memref<640000xi32, #tpu.memory_space<hbm>> -> memref<128xi32, #tpu.memory_space<hbm>>
      tpu.enqueue_dma source(%dma_start3A_258 : memref<128xi32, #tpu.memory_space<hbm>>) target(%arg7 : memref<128xi32, #tpu.memory_space<vmem>>) target_semaphore(%arg24 : memref<!tpu.dma_semaphore, #tpu.memory_space<semaphore_mem>>)
      %add3A_259 = arith.constant 1 : i32
      %add3A_260 = arith.addi %add3A_212, %add3A_259 : i32
      %dma_wait3A_261 = arith.constant 0 : i32
      %dma_wait3A_262 = arith.constant 0 : i32
      %dma_wait3A_263 = tpu.memref_slice %arg2[%dma_wait3A_261, %dma_wait3A_262] : memref<10000x128xf32, #tpu.memory_space<hbm>> -> memref<10000x128xf32, #tpu.memory_space<hbm>>
      tpu.wait_indirect_dma semaphore(%arg23 : memref<!tpu.dma_semaphore, #tpu.memory_space<semaphore_mem>>) src(%dma_wait3A_263 : memref<10000x128xf32, #tpu.memory_space<hbm>>) dst(%arg15 : memref<128x128xf32, #tpu.memory_space<vmem>>)
      %dma_wait3A_264 = arith.constant 0 : i32
      %dma_wait3A_265 = arith.constant 0 : i32
      %dma_wait3A_266 = tpu.memref_slice %arg20[%dma_wait3A_264, %dma_wait3A_265] : memref<10240x128xf32, #tpu.memory_space<vmem_shared>> -> memref<10240x128xf32, #tpu.memory_space<vmem_shared>>
      tpu.wait_indirect_dma semaphore(%arg30 : memref<!tpu.dma_semaphore, #tpu.memory_space<semaphore_mem>>) src(%arg14 : memref<128x128xf32, #tpu.memory_space<vmem>>) dst(%dma_wait3A_266 : memref<10240x128xf32, #tpu.memory_space<vmem_shared>>)
      %dma_wait3A_267 = arith.constant 0 : i32
      %dma_wait3A_268 = tpu.memref_slice %arg21[%dma_wait3A_267] : memref<10240xf32, #tpu.memory_space<vmem_shared>> -> memref<10240xf32, #tpu.memory_space<vmem_shared>>
      tpu.wait_indirect_dma semaphore(%arg30 : memref<!tpu.dma_semaphore, #tpu.memory_space<semaphore_mem>>) src(%arg16 : memref<128xf32, #tpu.memory_space<vmem>>) dst(%dma_wait3A_268 : memref<10240xf32, #tpu.memory_space<vmem_shared>>)
      %add3A_269 = arith.addi %mul3A_0, %mul3A_36 : i32
      %add3A_270 = arith.constant 0 : i32
      %add3A_271 = arith.addi %add3A_269, %add3A_270 : i32
      %multiple_of3A_272 = tpu.assume_multiple %add3A_271, 8 : i32
      %dma_wait3A_273 = tpu.memref_slice %arg3[%multiple_of3A_272] : memref<640000xi32, #tpu.memory_space<hbm>> -> memref<128xi32, #tpu.memory_space<hbm>>
      %dma_wait3A_274 = tpu.memref_slice %arg3[%multiple_of3A_272] : memref<640000xi32, #tpu.memory_space<hbm>> -> memref<128xi32, #tpu.memory_space<hbm>>
      tpu.wait_dma2 semaphore(%arg24 : memref<!tpu.dma_semaphore, #tpu.memory_space<semaphore_mem>>) src(%dma_wait3A_274 : memref<128xi32, #tpu.memory_space<hbm>>) dst(%arg6 : memref<128xi32, #tpu.memory_space<vmem>>)
      %add3A_275 = arith.addi %mul3A_3, %mul3A_36 : i32
      %add3A_276 = arith.constant 0 : i32
      %add3A_277 = arith.addi %add3A_275, %add3A_276 : i32
      %multiple_of3A_278 = tpu.assume_multiple %add3A_277, 8 : i32
      %dma_wait3A_279 = tpu.memref_slice %arg3[%multiple_of3A_278] : memref<640000xi32, #tpu.memory_space<hbm>> -> memref<128xi32, #tpu.memory_space<hbm>>
      %dma_wait3A_280 = tpu.memref_slice %arg3[%multiple_of3A_278] : memref<640000xi32, #tpu.memory_space<hbm>> -> memref<128xi32, #tpu.memory_space<hbm>>
      tpu.wait_dma2 semaphore(%arg24 : memref<!tpu.dma_semaphore, #tpu.memory_space<semaphore_mem>>) src(%dma_wait3A_280 : memref<128xi32, #tpu.memory_space<hbm>>) dst(%arg7 : memref<128xi32, #tpu.memory_space<vmem>>)
      %dma_start3A_281 = arith.constant 0 : i32
      %dma_start3A_282 = arith.constant 0 : i32
      %dma_start3A_283 = tpu.memref_slice %arg2[%dma_start3A_281, %dma_start3A_282] : memref<10000x128xf32, #tpu.memory_space<hbm>> -> memref<10000x128xf32, #tpu.memory_space<hbm>>
      tpu.enqueue_indirect_dma source(%dma_start3A_283 : memref<10000x128xf32, #tpu.memory_space<hbm>>) target(%arg14 : memref<128x128xf32, #tpu.memory_space<vmem>>) offsets(%arg6 : memref<128xi32, #tpu.memory_space<vmem>>) semaphore(%arg22 : memref<!tpu.dma_semaphore, #tpu.memory_space<semaphore_mem>>)
      %dma_start3A_284 = arith.constant 0 : i32
      %dma_start3A_285 = arith.constant 0 : i32
      %dma_start3A_286 = tpu.memref_slice %arg20[%dma_start3A_284, %dma_start3A_285] : memref<10240x128xf32, #tpu.memory_space<vmem_shared>> -> memref<10240x128xf32, #tpu.memory_space<vmem_shared>>
      tpu.enqueue_indirect_dma source(%arg15 : memref<128x128xf32, #tpu.memory_space<vmem>>) target(%dma_start3A_286 : memref<10240x128xf32, #tpu.memory_space<vmem_shared>>) offsets(%arg13 : memref<128xi32, #tpu.memory_space<vmem>>) semaphore(%arg31 : memref<!tpu.dma_semaphore, #tpu.memory_space<semaphore_mem>>) {add = true}
      %dma_start3A_287 = arith.constant 0 : i32
      %dma_start3A_288 = tpu.memref_slice %arg21[%dma_start3A_287] : memref<10240xf32, #tpu.memory_space<vmem_shared>> -> memref<10240xf32, #tpu.memory_space<vmem_shared>>
      tpu.enqueue_indirect_dma source(%arg16 : memref<128xf32, #tpu.memory_space<vmem>>) target(%dma_start3A_288 : memref<10240xf32, #tpu.memory_space<vmem_shared>>) offsets(%arg13 : memref<128xi32, #tpu.memory_space<vmem>>) semaphore(%arg31 : memref<!tpu.dma_semaphore, #tpu.memory_space<semaphore_mem>>) {add = true}
      %add3A_289 = arith.constant 2 : i32
      %add3A_290 = arith.addi %add3A_260, %add3A_289 : i32
      %add3A_291 = arith.addi %mul3A_0, %mul3A_36 : i32
      %mul3A_292 = arith.constant 128 : i32
      %mul3A_293 = arith.muli %add3A_290, %mul3A_292 : i32
      %add3A_294 = arith.addi %add3A_291, %mul3A_293 : i32
      %multiple_of3A_295 = tpu.assume_multiple %add3A_294, 8 : i32
      %dma_start3A_296 = tpu.memref_slice %arg3[%multiple_of3A_295] : memref<640000xi32, #tpu.memory_space<hbm>> -> memref<128xi32, #tpu.memory_space<hbm>>
      %dma_start3A_297 = tpu.memref_slice %arg3[%multiple_of3A_295] : memref<640000xi32, #tpu.memory_space<hbm>> -> memref<128xi32, #tpu.memory_space<hbm>>
      tpu.enqueue_dma source(%dma_start3A_297 : memref<128xi32, #tpu.memory_space<hbm>>) target(%arg8 : memref<128xi32, #tpu.memory_space<vmem>>) target_semaphore(%arg25 : memref<!tpu.dma_semaphore, #tpu.memory_space<semaphore_mem>>)
      %add3A_298 = arith.addi %mul3A_3, %mul3A_36 : i32
      %mul3A_299 = arith.constant 128 : i32
      %mul3A_300 = arith.muli %add3A_290, %mul3A_299 : i32
      %add3A_301 = arith.addi %add3A_298, %mul3A_300 : i32
      %multiple_of3A_302 = tpu.assume_multiple %add3A_301, 8 : i32
      %dma_start3A_303 = tpu.memref_slice %arg3[%multiple_of3A_302] : memref<640000xi32, #tpu.memory_space<hbm>> -> memref<128xi32, #tpu.memory_space<hbm>>
      %dma_start3A_304 = tpu.memref_slice %arg3[%multiple_of3A_302] : memref<640000xi32, #tpu.memory_space<hbm>> -> memref<128xi32, #tpu.memory_space<hbm>>
      tpu.enqueue_dma source(%dma_start3A_304 : memref<128xi32, #tpu.memory_space<hbm>>) target(%arg9 : memref<128xi32, #tpu.memory_space<vmem>>) target_semaphore(%arg25 : memref<!tpu.dma_semaphore, #tpu.memory_space<semaphore_mem>>)
      %add3A_305 = arith.constant 2 : i32
      %add3A_306 = arith.addi %add3A_212, %add3A_305 : i32
      %dma_wait3A_307 = arith.constant 0 : i32
      %dma_wait3A_308 = arith.constant 0 : i32
      %dma_wait3A_309 = tpu.memref_slice %arg2[%dma_wait3A_307, %dma_wait3A_308] : memref<10000x128xf32, #tpu.memory_space<hbm>> -> memref<10000x128xf32, #tpu.memory_space<hbm>>
      tpu.wait_indirect_dma semaphore(%arg22 : memref<!tpu.dma_semaphore, #tpu.memory_space<semaphore_mem>>) src(%dma_wait3A_309 : memref<10000x128xf32, #tpu.memory_space<hbm>>) dst(%arg14 : memref<128x128xf32, #tpu.memory_space<vmem>>)
      %dma_wait3A_310 = arith.constant 0 : i32
      %dma_wait3A_311 = arith.constant 0 : i32
      %dma_wait3A_312 = tpu.memref_slice %arg20[%dma_wait3A_310, %dma_wait3A_311] : memref<10240x128xf32, #tpu.memory_space<vmem_shared>> -> memref<10240x128xf32, #tpu.memory_space<vmem_shared>>
      tpu.wait_indirect_dma semaphore(%arg31 : memref<!tpu.dma_semaphore, #tpu.memory_space<semaphore_mem>>) src(%arg15 : memref<128x128xf32, #tpu.memory_space<vmem>>) dst(%dma_wait3A_312 : memref<10240x128xf32, #tpu.memory_space<vmem_shared>>)
      %dma_wait3A_313 = arith.constant 0 : i32
      %dma_wait3A_314 = tpu.memref_slice %arg21[%dma_wait3A_313] : memref<10240xf32, #tpu.memory_space<vmem_shared>> -> memref<10240xf32, #tpu.memory_space<vmem_shared>>
      tpu.wait_indirect_dma semaphore(%arg31 : memref<!tpu.dma_semaphore, #tpu.memory_space<semaphore_mem>>) src(%arg16 : memref<128xf32, #tpu.memory_space<vmem>>) dst(%dma_wait3A_314 : memref<10240xf32, #tpu.memory_space<vmem_shared>>)
      %add3A_315 = arith.addi %mul3A_0, %mul3A_36 : i32
      %add3A_316 = arith.constant 0 : i32
      %add3A_317 = arith.addi %add3A_315, %add3A_316 : i32
      %multiple_of3A_318 = tpu.assume_multiple %add3A_317, 8 : i32
      %dma_wait3A_319 = tpu.memref_slice %arg3[%multiple_of3A_318] : memref<640000xi32, #tpu.memory_space<hbm>> -> memref<128xi32, #tpu.memory_space<hbm>>
      %dma_wait3A_320 = tpu.memref_slice %arg3[%multiple_of3A_318] : memref<640000xi32, #tpu.memory_space<hbm>> -> memref<128xi32, #tpu.memory_space<hbm>>
      tpu.wait_dma2 semaphore(%arg25 : memref<!tpu.dma_semaphore, #tpu.memory_space<semaphore_mem>>) src(%dma_wait3A_320 : memref<128xi32, #tpu.memory_space<hbm>>) dst(%arg8 : memref<128xi32, #tpu.memory_space<vmem>>)
      %add3A_321 = arith.addi %mul3A_3, %mul3A_36 : i32
      %add3A_322 = arith.constant 0 : i32
      %add3A_323 = arith.addi %add3A_321, %add3A_322 : i32
      %multiple_of3A_324 = tpu.assume_multiple %add3A_323, 8 : i32
      %dma_wait3A_325 = tpu.memref_slice %arg3[%multiple_of3A_324] : memref<640000xi32, #tpu.memory_space<hbm>> -> memref<128xi32, #tpu.memory_space<hbm>>
      %dma_wait3A_326 = tpu.memref_slice %arg3[%multiple_of3A_324] : memref<640000xi32, #tpu.memory_space<hbm>> -> memref<128xi32, #tpu.memory_space<hbm>>
      tpu.wait_dma2 semaphore(%arg25 : memref<!tpu.dma_semaphore, #tpu.memory_space<semaphore_mem>>) src(%dma_wait3A_326 : memref<128xi32, #tpu.memory_space<hbm>>) dst(%arg9 : memref<128xi32, #tpu.memory_space<vmem>>)
      %dma_start3A_327 = arith.constant 0 : i32
      %dma_start3A_328 = arith.constant 0 : i32
      %dma_start3A_329 = tpu.memref_slice %arg2[%dma_start3A_327, %dma_start3A_328] : memref<10000x128xf32, #tpu.memory_space<hbm>> -> memref<10000x128xf32, #tpu.memory_space<hbm>>
      tpu.enqueue_indirect_dma source(%dma_start3A_329 : memref<10000x128xf32, #tpu.memory_space<hbm>>) target(%arg15 : memref<128x128xf32, #tpu.memory_space<vmem>>) offsets(%arg8 : memref<128xi32, #tpu.memory_space<vmem>>) semaphore(%arg23 : memref<!tpu.dma_semaphore, #tpu.memory_space<semaphore_mem>>)
      %dma_start3A_330 = arith.constant 0 : i32
      %dma_start3A_331 = arith.constant 0 : i32
      %dma_start3A_332 = tpu.memref_slice %arg20[%dma_start3A_330, %dma_start3A_331] : memref<10240x128xf32, #tpu.memory_space<vmem_shared>> -> memref<10240x128xf32, #tpu.memory_space<vmem_shared>>
      tpu.enqueue_indirect_dma source(%arg14 : memref<128x128xf32, #tpu.memory_space<vmem>>) target(%dma_start3A_332 : memref<10240x128xf32, #tpu.memory_space<vmem_shared>>) offsets(%arg7 : memref<128xi32, #tpu.memory_space<vmem>>) semaphore(%arg28 : memref<!tpu.dma_semaphore, #tpu.memory_space<semaphore_mem>>) {add = true}
      %dma_start3A_333 = arith.constant 0 : i32
      %dma_start3A_334 = tpu.memref_slice %arg21[%dma_start3A_333] : memref<10240xf32, #tpu.memory_space<vmem_shared>> -> memref<10240xf32, #tpu.memory_space<vmem_shared>>
      tpu.enqueue_indirect_dma source(%arg16 : memref<128xf32, #tpu.memory_space<vmem>>) target(%dma_start3A_334 : memref<10240xf32, #tpu.memory_space<vmem_shared>>) offsets(%arg7 : memref<128xi32, #tpu.memory_space<vmem>>) semaphore(%arg28 : memref<!tpu.dma_semaphore, #tpu.memory_space<semaphore_mem>>) {add = true}
      %add3A_335 = arith.constant 2 : i32
      %add3A_336 = arith.addi %add3A_306, %add3A_335 : i32
      %add3A_337 = arith.addi %mul3A_0, %mul3A_36 : i32
      %mul3A_338 = arith.constant 128 : i32
      %mul3A_339 = arith.muli %add3A_336, %mul3A_338 : i32
      %add3A_340 = arith.addi %add3A_337, %mul3A_339 : i32
      %multiple_of3A_341 = tpu.assume_multiple %add3A_340, 8 : i32
      %dma_start3A_342 = tpu.memref_slice %arg3[%multiple_of3A_341] : memref<640000xi32, #tpu.memory_space<hbm>> -> memref<128xi32, #tpu.memory_space<hbm>>
      %dma_start3A_343 = tpu.memref_slice %arg3[%multiple_of3A_341] : memref<640000xi32, #tpu.memory_space<hbm>> -> memref<128xi32, #tpu.memory_space<hbm>>
      tpu.enqueue_dma source(%dma_start3A_343 : memref<128xi32, #tpu.memory_space<hbm>>) target(%arg10 : memref<128xi32, #tpu.memory_space<vmem>>) target_semaphore(%arg26 : memref<!tpu.dma_semaphore, #tpu.memory_space<semaphore_mem>>)
      %add3A_344 = arith.addi %mul3A_3, %mul3A_36 : i32
      %mul3A_345 = arith.constant 128 : i32
      %mul3A_346 = arith.muli %add3A_336, %mul3A_345 : i32
      %add3A_347 = arith.addi %add3A_344, %mul3A_346 : i32
      %multiple_of3A_348 = tpu.assume_multiple %add3A_347, 8 : i32
      %dma_start3A_349 = tpu.memref_slice %arg3[%multiple_of3A_348] : memref<640000xi32, #tpu.memory_space<hbm>> -> memref<128xi32, #tpu.memory_space<hbm>>
      %dma_start3A_350 = tpu.memref_slice %arg3[%multiple_of3A_348] : memref<640000xi32, #tpu.memory_space<hbm>> -> memref<128xi32, #tpu.memory_space<hbm>>
      tpu.enqueue_dma source(%dma_start3A_350 : memref<128xi32, #tpu.memory_space<hbm>>) target(%arg11 : memref<128xi32, #tpu.memory_space<vmem>>) target_semaphore(%arg26 : memref<!tpu.dma_semaphore, #tpu.memory_space<semaphore_mem>>)
      %add3A_351 = arith.constant 3 : i32
      %add3A_352 = arith.addi %add3A_212, %add3A_351 : i32
      %dma_wait3A_353 = arith.constant 0 : i32
      %dma_wait3A_354 = arith.constant 0 : i32
      %dma_wait3A_355 = tpu.memref_slice %arg2[%dma_wait3A_353, %dma_wait3A_354] : memref<10000x128xf32, #tpu.memory_space<hbm>> -> memref<10000x128xf32, #tpu.memory_space<hbm>>
      tpu.wait_indirect_dma semaphore(%arg23 : memref<!tpu.dma_semaphore, #tpu.memory_space<semaphore_mem>>) src(%dma_wait3A_355 : memref<10000x128xf32, #tpu.memory_space<hbm>>) dst(%arg15 : memref<128x128xf32, #tpu.memory_space<vmem>>)
      %dma_wait3A_356 = arith.constant 0 : i32
      %dma_wait3A_357 = arith.constant 0 : i32
      %dma_wait3A_358 = tpu.memref_slice %arg20[%dma_wait3A_356, %dma_wait3A_357] : memref<10240x128xf32, #tpu.memory_space<vmem_shared>> -> memref<10240x128xf32, #tpu.memory_space<vmem_shared>>
      tpu.wait_indirect_dma semaphore(%arg28 : memref<!tpu.dma_semaphore, #tpu.memory_space<semaphore_mem>>) src(%arg14 : memref<128x128xf32, #tpu.memory_space<vmem>>) dst(%dma_wait3A_358 : memref<10240x128xf32, #tpu.memory_space<vmem_shared>>)
      %dma_wait3A_359 = arith.constant 0 : i32
      %dma_wait3A_360 = tpu.memref_slice %arg21[%dma_wait3A_359] : memref<10240xf32, #tpu.memory_space<vmem_shared>> -> memref<10240xf32, #tpu.memory_space<vmem_shared>>
      tpu.wait_indirect_dma semaphore(%arg28 : memref<!tpu.dma_semaphore, #tpu.memory_space<semaphore_mem>>) src(%arg16 : memref<128xf32, #tpu.memory_space<vmem>>) dst(%dma_wait3A_360 : memref<10240xf32, #tpu.memory_space<vmem_shared>>)
      %add3A_361 = arith.addi %mul3A_0, %mul3A_36 : i32
      %add3A_362 = arith.constant 0 : i32
      %add3A_363 = arith.addi %add3A_361, %add3A_362 : i32
      %multiple_of3A_364 = tpu.assume_multiple %add3A_363, 8 : i32
      %dma_wait3A_365 = tpu.memref_slice %arg3[%multiple_of3A_364] : memref<640000xi32, #tpu.memory_space<hbm>> -> memref<128xi32, #tpu.memory_space<hbm>>
      %dma_wait3A_366 = tpu.memref_slice %arg3[%multiple_of3A_364] : memref<640000xi32, #tpu.memory_space<hbm>> -> memref<128xi32, #tpu.memory_space<hbm>>
      tpu.wait_dma2 semaphore(%arg26 : memref<!tpu.dma_semaphore, #tpu.memory_space<semaphore_mem>>) src(%dma_wait3A_366 : memref<128xi32, #tpu.memory_space<hbm>>) dst(%arg10 : memref<128xi32, #tpu.memory_space<vmem>>)
      %add3A_367 = arith.addi %mul3A_3, %mul3A_36 : i32
      %add3A_368 = arith.constant 0 : i32
      %add3A_369 = arith.addi %add3A_367, %add3A_368 : i32
      %multiple_of3A_370 = tpu.assume_multiple %add3A_369, 8 : i32
      %dma_wait3A_371 = tpu.memref_slice %arg3[%multiple_of3A_370] : memref<640000xi32, #tpu.memory_space<hbm>> -> memref<128xi32, #tpu.memory_space<hbm>>
      %dma_wait3A_372 = tpu.memref_slice %arg3[%multiple_of3A_370] : memref<640000xi32, #tpu.memory_space<hbm>> -> memref<128xi32, #tpu.memory_space<hbm>>
      tpu.wait_dma2 semaphore(%arg26 : memref<!tpu.dma_semaphore, #tpu.memory_space<semaphore_mem>>) src(%dma_wait3A_372 : memref<128xi32, #tpu.memory_space<hbm>>) dst(%arg11 : memref<128xi32, #tpu.memory_space<vmem>>)
      %dma_start3A_373 = arith.constant 0 : i32
      %dma_start3A_374 = arith.constant 0 : i32
      %dma_start3A_375 = tpu.memref_slice %arg2[%dma_start3A_373, %dma_start3A_374] : memref<10000x128xf32, #tpu.memory_space<hbm>> -> memref<10000x128xf32, #tpu.memory_space<hbm>>
      tpu.enqueue_indirect_dma source(%dma_start3A_375 : memref<10000x128xf32, #tpu.memory_space<hbm>>) target(%arg14 : memref<128x128xf32, #tpu.memory_space<vmem>>) offsets(%arg10 : memref<128xi32, #tpu.memory_space<vmem>>) semaphore(%arg22 : memref<!tpu.dma_semaphore, #tpu.memory_space<semaphore_mem>>)
      %dma_start3A_376 = arith.constant 0 : i32
      %dma_start3A_377 = arith.constant 0 : i32
      %dma_start3A_378 = tpu.memref_slice %arg20[%dma_start3A_376, %dma_start3A_377] : memref<10240x128xf32, #tpu.memory_space<vmem_shared>> -> memref<10240x128xf32, #tpu.memory_space<vmem_shared>>
      tpu.enqueue_indirect_dma source(%arg15 : memref<128x128xf32, #tpu.memory_space<vmem>>) target(%dma_start3A_378 : memref<10240x128xf32, #tpu.memory_space<vmem_shared>>) offsets(%arg9 : memref<128xi32, #tpu.memory_space<vmem>>) semaphore(%arg29 : memref<!tpu.dma_semaphore, #tpu.memory_space<semaphore_mem>>) {add = true}
      %dma_start3A_379 = arith.constant 0 : i32
      %dma_start3A_380 = tpu.memref_slice %arg21[%dma_start3A_379] : memref<10240xf32, #tpu.memory_space<vmem_shared>> -> memref<10240xf32, #tpu.memory_space<vmem_shared>>
      tpu.enqueue_indirect_dma source(%arg16 : memref<128xf32, #tpu.memory_space<vmem>>) target(%dma_start3A_380 : memref<10240xf32, #tpu.memory_space<vmem_shared>>) offsets(%arg9 : memref<128xi32, #tpu.memory_space<vmem>>) semaphore(%arg29 : memref<!tpu.dma_semaphore, #tpu.memory_space<semaphore_mem>>) {add = true}
      %add3A_381 = arith.constant 2 : i32
      %add3A_382 = arith.addi %add3A_352, %add3A_381 : i32
      %add3A_383 = arith.addi %mul3A_0, %mul3A_36 : i32
      %mul3A_384 = arith.constant 128 : i32
      %mul3A_385 = arith.muli %add3A_382, %mul3A_384 : i32
      %add3A_386 = arith.addi %add3A_383, %mul3A_385 : i32
      %multiple_of3A_387 = tpu.assume_multiple %add3A_386, 8 : i32
      %dma_start3A_388 = tpu.memref_slice %arg3[%multiple_of3A_387] : memref<640000xi32, #tpu.memory_space<hbm>> -> memref<128xi32, #tpu.memory_space<hbm>>
      %dma_start3A_389 = tpu.memref_slice %arg3[%multiple_of3A_387] : memref<640000xi32, #tpu.memory_space<hbm>> -> memref<128xi32, #tpu.memory_space<hbm>>
      tpu.enqueue_dma source(%dma_start3A_389 : memref<128xi32, #tpu.memory_space<hbm>>) target(%arg12 : memref<128xi32, #tpu.memory_space<vmem>>) target_semaphore(%arg27 : memref<!tpu.dma_semaphore, #tpu.memory_space<semaphore_mem>>)
      %add3A_390 = arith.addi %mul3A_3, %mul3A_36 : i32
      %mul3A_391 = arith.constant 128 : i32
      %mul3A_392 = arith.muli %add3A_382, %mul3A_391 : i32
      %add3A_393 = arith.addi %add3A_390, %mul3A_392 : i32
      %multiple_of3A_394 = tpu.assume_multiple %add3A_393, 8 : i32
      %dma_start3A_395 = tpu.memref_slice %arg3[%multiple_of3A_394] : memref<640000xi32, #tpu.memory_space<hbm>> -> memref<128xi32, #tpu.memory_space<hbm>>
      %dma_start3A_396 = tpu.memref_slice %arg3[%multiple_of3A_394] : memref<640000xi32, #tpu.memory_space<hbm>> -> memref<128xi32, #tpu.memory_space<hbm>>
      tpu.enqueue_dma source(%dma_start3A_396 : memref<128xi32, #tpu.memory_space<hbm>>) target(%arg13 : memref<128xi32, #tpu.memory_space<vmem>>) target_semaphore(%arg27 : memref<!tpu.dma_semaphore, #tpu.memory_space<semaphore_mem>>)
    }
    %scan3A_138 = arith.constant 38 : i32
    %dma_wait3A_139 = arith.constant 0 : i32
    %dma_wait3A_140 = arith.constant 0 : i32
    %dma_wait3A_141 = tpu.memref_slice %arg2[%dma_wait3A_139, %dma_wait3A_140] : memref<10000x128xf32, #tpu.memory_space<hbm>> -> memref<10000x128xf32, #tpu.memory_space<hbm>>
    tpu.wait_indirect_dma semaphore(%arg22 : memref<!tpu.dma_semaphore, #tpu.memory_space<semaphore_mem>>) src(%dma_wait3A_141 : memref<10000x128xf32, #tpu.memory_space<hbm>>) dst(%arg14 : memref<128x128xf32, #tpu.memory_space<vmem>>)
    %dma_wait3A_142 = arith.constant 0 : i32
    %dma_wait3A_143 = arith.constant 0 : i32
    %dma_wait3A_144 = tpu.memref_slice %arg20[%dma_wait3A_142, %dma_wait3A_143] : memref<10240x128xf32, #tpu.memory_space<vmem_shared>> -> memref<10240x128xf32, #tpu.memory_space<vmem_shared>>
    tpu.wait_indirect_dma semaphore(%arg29 : memref<!tpu.dma_semaphore, #tpu.memory_space<semaphore_mem>>) src(%arg15 : memref<128x128xf32, #tpu.memory_space<vmem>>) dst(%dma_wait3A_144 : memref<10240x128xf32, #tpu.memory_space<vmem_shared>>)
    %dma_wait3A_145 = arith.constant 0 : i32
    %dma_wait3A_146 = tpu.memref_slice %arg21[%dma_wait3A_145] : memref<10240xf32, #tpu.memory_space<vmem_shared>> -> memref<10240xf32, #tpu.memory_space<vmem_shared>>
    tpu.wait_indirect_dma semaphore(%arg29 : memref<!tpu.dma_semaphore, #tpu.memory_space<semaphore_mem>>) src(%arg16 : memref<128xf32, #tpu.memory_space<vmem>>) dst(%dma_wait3A_146 : memref<10240xf32, #tpu.memory_space<vmem_shared>>)
    %add3A_147 = arith.addi %mul3A_0, %mul3A_36 : i32
    %add3A_148 = arith.constant 0 : i32
    %add3A_149 = arith.addi %add3A_147, %add3A_148 : i32
    %multiple_of3A_150 = tpu.assume_multiple %add3A_149, 8 : i32
    %dma_wait3A_151 = tpu.memref_slice %arg3[%multiple_of3A_150] : memref<640000xi32, #tpu.memory_space<hbm>> -> memref<128xi32, #tpu.memory_space<hbm>>
    %dma_wait3A_152 = tpu.memref_slice %arg3[%multiple_of3A_150] : memref<640000xi32, #tpu.memory_space<hbm>> -> memref<128xi32, #tpu.memory_space<hbm>>
    tpu.wait_dma2 semaphore(%arg27 : memref<!tpu.dma_semaphore, #tpu.memory_space<semaphore_mem>>) src(%dma_wait3A_152 : memref<128xi32, #tpu.memory_space<hbm>>) dst(%arg12 : memref<128xi32, #tpu.memory_space<vmem>>)
    %add3A_153 = arith.addi %mul3A_3, %mul3A_36 : i32
    %add3A_154 = arith.constant 0 : i32
    %add3A_155 = arith.addi %add3A_153, %add3A_154 : i32
    %multiple_of3A_156 = tpu.assume_multiple %add3A_155, 8 : i32
    %dma_wait3A_157 = tpu.memref_slice %arg3[%multiple_of3A_156] : memref<640000xi32, #tpu.memory_space<hbm>> -> memref<128xi32, #tpu.memory_space<hbm>>
    %dma_wait3A_158 = tpu.memref_slice %arg3[%multiple_of3A_156] : memref<640000xi32, #tpu.memory_space<hbm>> -> memref<128xi32, #tpu.memory_space<hbm>>
    tpu.wait_dma2 semaphore(%arg27 : memref<!tpu.dma_semaphore, #tpu.memory_space<semaphore_mem>>) src(%dma_wait3A_158 : memref<128xi32, #tpu.memory_space<hbm>>) dst(%arg13 : memref<128xi32, #tpu.memory_space<vmem>>)
    %dma_start3A_159 = arith.constant 0 : i32
    %dma_start3A_160 = arith.constant 0 : i32
    %dma_start3A_161 = tpu.memref_slice %arg2[%dma_start3A_159, %dma_start3A_160] : memref<10000x128xf32, #tpu.memory_space<hbm>> -> memref<10000x128xf32, #tpu.memory_space<hbm>>
    tpu.enqueue_indirect_dma source(%dma_start3A_161 : memref<10000x128xf32, #tpu.memory_space<hbm>>) target(%arg15 : memref<128x128xf32, #tpu.memory_space<vmem>>) offsets(%arg12 : memref<128xi32, #tpu.memory_space<vmem>>) semaphore(%arg23 : memref<!tpu.dma_semaphore, #tpu.memory_space<semaphore_mem>>)
    %dma_start3A_162 = arith.constant 0 : i32
    %dma_start3A_163 = arith.constant 0 : i32
    %dma_start3A_164 = tpu.memref_slice %arg20[%dma_start3A_162, %dma_start3A_163] : memref<10240x128xf32, #tpu.memory_space<vmem_shared>> -> memref<10240x128xf32, #tpu.memory_space<vmem_shared>>
    tpu.enqueue_indirect_dma source(%arg14 : memref<128x128xf32, #tpu.memory_space<vmem>>) target(%dma_start3A_164 : memref<10240x128xf32, #tpu.memory_space<vmem_shared>>) offsets(%arg11 : memref<128xi32, #tpu.memory_space<vmem>>) semaphore(%arg30 : memref<!tpu.dma_semaphore, #tpu.memory_space<semaphore_mem>>) {add = true}
    %dma_start3A_165 = arith.constant 0 : i32
    %dma_start3A_166 = tpu.memref_slice %arg21[%dma_start3A_165] : memref<10240xf32, #tpu.memory_space<vmem_shared>> -> memref<10240xf32, #tpu.memory_space<vmem_shared>>
    tpu.enqueue_indirect_dma source(%arg16 : memref<128xf32, #tpu.memory_space<vmem>>) target(%dma_start3A_166 : memref<10240xf32, #tpu.memory_space<vmem_shared>>) offsets(%arg11 : memref<128xi32, #tpu.memory_space<vmem>>) semaphore(%arg30 : memref<!tpu.dma_semaphore, #tpu.memory_space<semaphore_mem>>) {add = true}
    %dma_wait3A_167 = arith.constant 0 : i32
    %dma_wait3A_168 = arith.constant 0 : i32
    %dma_wait3A_169 = tpu.memref_slice %arg2[%dma_wait3A_167, %dma_wait3A_168] : memref<10000x128xf32, #tpu.memory_space<hbm>> -> memref<10000x128xf32, #tpu.memory_space<hbm>>
    tpu.wait_indirect_dma semaphore(%arg23 : memref<!tpu.dma_semaphore, #tpu.memory_space<semaphore_mem>>) src(%dma_wait3A_169 : memref<10000x128xf32, #tpu.memory_space<hbm>>) dst(%arg15 : memref<128x128xf32, #tpu.memory_space<vmem>>)
    %dma_wait3A_170 = arith.constant 0 : i32
    %dma_wait3A_171 = arith.constant 0 : i32
    %dma_wait3A_172 = tpu.memref_slice %arg20[%dma_wait3A_170, %dma_wait3A_171] : memref<10240x128xf32, #tpu.memory_space<vmem_shared>> -> memref<10240x128xf32, #tpu.memory_space<vmem_shared>>
    tpu.wait_indirect_dma semaphore(%arg30 : memref<!tpu.dma_semaphore, #tpu.memory_space<semaphore_mem>>) src(%arg14 : memref<128x128xf32, #tpu.memory_space<vmem>>) dst(%dma_wait3A_172 : memref<10240x128xf32, #tpu.memory_space<vmem_shared>>)
    %dma_wait3A_173 = arith.constant 0 : i32
    %dma_wait3A_174 = tpu.memref_slice %arg21[%dma_wait3A_173] : memref<10240xf32, #tpu.memory_space<vmem_shared>> -> memref<10240xf32, #tpu.memory_space<vmem_shared>>
    tpu.wait_indirect_dma semaphore(%arg30 : memref<!tpu.dma_semaphore, #tpu.memory_space<semaphore_mem>>) src(%arg16 : memref<128xf32, #tpu.memory_space<vmem>>) dst(%dma_wait3A_174 : memref<10240xf32, #tpu.memory_space<vmem_shared>>)
    %dma_start3A_175 = arith.constant 0 : i32
    %dma_start3A_176 = arith.constant 0 : i32
    %dma_start3A_177 = tpu.memref_slice %arg20[%dma_start3A_175, %dma_start3A_176] : memref<10240x128xf32, #tpu.memory_space<vmem_shared>> -> memref<10240x128xf32, #tpu.memory_space<vmem_shared>>
    tpu.enqueue_indirect_dma source(%arg15 : memref<128x128xf32, #tpu.memory_space<vmem>>) target(%dma_start3A_177 : memref<10240x128xf32, #tpu.memory_space<vmem_shared>>) offsets(%arg13 : memref<128xi32, #tpu.memory_space<vmem>>) semaphore(%arg31 : memref<!tpu.dma_semaphore, #tpu.memory_space<semaphore_mem>>) {add = true}
    %dma_start3A_178 = arith.constant 0 : i32
    %dma_start3A_179 = tpu.memref_slice %arg21[%dma_start3A_178] : memref<10240xf32, #tpu.memory_space<vmem_shared>> -> memref<10240xf32, #tpu.memory_space<vmem_shared>>
    tpu.enqueue_indirect_dma source(%arg16 : memref<128xf32, #tpu.memory_space<vmem>>) target(%dma_start3A_179 : memref<10240xf32, #tpu.memory_space<vmem_shared>>) offsets(%arg13 : memref<128xi32, #tpu.memory_space<vmem>>) semaphore(%arg31 : memref<!tpu.dma_semaphore, #tpu.memory_space<semaphore_mem>>) {add = true}
    %dma_wait3A_180 = arith.constant 0 : i32
    %dma_wait3A_181 = arith.constant 0 : i32
    %dma_wait3A_182 = tpu.memref_slice %arg20[%dma_wait3A_180, %dma_wait3A_181] : memref<10240x128xf32, #tpu.memory_space<vmem_shared>> -> memref<10240x128xf32, #tpu.memory_space<vmem_shared>>
    tpu.wait_indirect_dma semaphore(%arg31 : memref<!tpu.dma_semaphore, #tpu.memory_space<semaphore_mem>>) src(%arg15 : memref<128x128xf32, #tpu.memory_space<vmem>>) dst(%dma_wait3A_182 : memref<10240x128xf32, #tpu.memory_space<vmem_shared>>)
    %dma_wait3A_183 = arith.constant 0 : i32
    %dma_wait3A_184 = tpu.memref_slice %arg21[%dma_wait3A_183] : memref<10240xf32, #tpu.memory_space<vmem_shared>> -> memref<10240xf32, #tpu.memory_space<vmem_shared>>
    tpu.wait_indirect_dma semaphore(%arg31 : memref<!tpu.dma_semaphore, #tpu.memory_space<semaphore_mem>>) src(%arg16 : memref<128xf32, #tpu.memory_space<vmem>>) dst(%dma_wait3A_184 : memref<10240xf32, #tpu.memory_space<vmem_shared>>)
    %add3A_185 = arith.constant 19968 : i32
    %add3A_186 = arith.addi %mul3A_36, %add3A_185 : i32
    %add3A_187 = arith.addi %mul3A_0, %add3A_186 : i32
    %multiple_of3A_188 = tpu.assume_multiple %add3A_187, 8 : i32
    "tpu.region"() ({
      %run_scoped3A = tpu.sem_alloc : memref<!tpu.dma_semaphore, #tpu.memory_space<semaphore_mem>>
      %dma_start3A_208 = tpu.memref_slice %arg3[%multiple_of3A_188] : memref<640000xi32, #tpu.memory_space<hbm>> -> memref<32xi32, #tpu.memory_space<hbm>>
      %dma_start3A_209 = tpu.memref_slice %arg3[%multiple_of3A_188] : memref<640000xi32, #tpu.memory_space<hbm>> -> memref<32xi32, #tpu.memory_space<hbm>>
      tpu.enqueue_dma source(%dma_start3A_209 : memref<32xi32, #tpu.memory_space<hbm>>) target(%arg18 : memref<32xi32, #tpu.memory_space<vmem>>) target_semaphore(%run_scoped3A : memref<!tpu.dma_semaphore, #tpu.memory_space<semaphore_mem>>)
      %dma_wait3A_210 = tpu.memref_slice %arg3[%multiple_of3A_188] : memref<640000xi32, #tpu.memory_space<hbm>> -> memref<32xi32, #tpu.memory_space<hbm>>
      %dma_wait3A_211 = tpu.memref_slice %arg3[%multiple_of3A_188] : memref<640000xi32, #tpu.memory_space<hbm>> -> memref<32xi32, #tpu.memory_space<hbm>>
      tpu.wait_dma2 semaphore(%run_scoped3A : memref<!tpu.dma_semaphore, #tpu.memory_space<semaphore_mem>>) src(%dma_wait3A_211 : memref<32xi32, #tpu.memory_space<hbm>>) dst(%arg18 : memref<32xi32, #tpu.memory_space<vmem>>)
      tpu.yield
    }) : () -> ()
    %add3A_189 = arith.addi %mul3A_3, %add3A_186 : i32
    %multiple_of3A_190 = tpu.assume_multiple %add3A_189, 8 : i32
    "tpu.region"() ({
      %run_scoped3A = tpu.sem_alloc : memref<!tpu.dma_semaphore, #tpu.memory_space<semaphore_mem>>
      %dma_start3A_208 = tpu.memref_slice %arg3[%multiple_of3A_190] : memref<640000xi32, #tpu.memory_space<hbm>> -> memref<32xi32, #tpu.memory_space<hbm>>
      %dma_start3A_209 = tpu.memref_slice %arg3[%multiple_of3A_190] : memref<640000xi32, #tpu.memory_space<hbm>> -> memref<32xi32, #tpu.memory_space<hbm>>
      tpu.enqueue_dma source(%dma_start3A_209 : memref<32xi32, #tpu.memory_space<hbm>>) target(%arg19 : memref<32xi32, #tpu.memory_space<vmem>>) target_semaphore(%run_scoped3A : memref<!tpu.dma_semaphore, #tpu.memory_space<semaphore_mem>>)
      %dma_wait3A_210 = tpu.memref_slice %arg3[%multiple_of3A_190] : memref<640000xi32, #tpu.memory_space<hbm>> -> memref<32xi32, #tpu.memory_space<hbm>>
      %dma_wait3A_211 = tpu.memref_slice %arg3[%multiple_of3A_190] : memref<640000xi32, #tpu.memory_space<hbm>> -> memref<32xi32, #tpu.memory_space<hbm>>
      tpu.wait_dma2 semaphore(%run_scoped3A : memref<!tpu.dma_semaphore, #tpu.memory_space<semaphore_mem>>) src(%dma_wait3A_211 : memref<32xi32, #tpu.memory_space<hbm>>) dst(%arg19 : memref<32xi32, #tpu.memory_space<vmem>>)
      tpu.yield
    }) : () -> ()
    %dma_start3A_191 = arith.constant 0 : i32
    %dma_start3A_192 = arith.constant 0 : i32
    %dma_start3A_193 = tpu.memref_slice %arg14[%dma_start3A_191, %dma_start3A_192] : memref<128x128xf32, #tpu.memory_space<vmem>> -> memref<32x128xf32, #tpu.memory_space<vmem>>
    %dma_start3A_194 = arith.constant 0 : i32
    %dma_start3A_195 = arith.constant 0 : i32
    %dma_start3A_196 = tpu.memref_slice %arg2[%dma_start3A_194, %dma_start3A_195] : memref<10000x128xf32, #tpu.memory_space<hbm>> -> memref<10000x128xf32, #tpu.memory_space<hbm>>
    tpu.enqueue_indirect_dma source(%dma_start3A_196 : memref<10000x128xf32, #tpu.memory_space<hbm>>) target(%dma_start3A_193 : memref<32x128xf32, #tpu.memory_space<vmem>>) offsets(%arg18 : memref<32xi32, #tpu.memory_space<vmem>>) semaphore(%arg22 : memref<!tpu.dma_semaphore, #tpu.memory_space<semaphore_mem>>)
    %dma_wait3A_197 = arith.constant 0 : i32
    %dma_wait3A_198 = arith.constant 0 : i32
    %dma_wait3A_199 = tpu.memref_slice %arg14[%dma_wait3A_197, %dma_wait3A_198] : memref<128x128xf32, #tpu.memory_space<vmem>> -> memref<32x128xf32, #tpu.memory_space<vmem>>
    %dma_wait3A_200 = arith.constant 0 : i32
    %dma_wait3A_201 = arith.constant 0 : i32
    %dma_wait3A_202 = tpu.memref_slice %arg2[%dma_wait3A_200, %dma_wait3A_201] : memref<10000x128xf32, #tpu.memory_space<hbm>> -> memref<10000x128xf32, #tpu.memory_space<hbm>>
    tpu.wait_indirect_dma semaphore(%arg22 : memref<!tpu.dma_semaphore, #tpu.memory_space<semaphore_mem>>) src(%dma_wait3A_202 : memref<10000x128xf32, #tpu.memory_space<hbm>>) dst(%dma_wait3A_199 : memref<32x128xf32, #tpu.memory_space<vmem>>)
    "tpu.region"() ({
      %run_scoped3A = tpu.sem_alloc : memref<!tpu.dma_semaphore, #tpu.memory_space<semaphore_mem>>
      %dma_start3A_208 = arith.constant 0 : i32
      %dma_start3A_209 = arith.constant 0 : i32
      %dma_start3A_210 = tpu.memref_slice %arg14[%dma_start3A_208, %dma_start3A_209] : memref<128x128xf32, #tpu.memory_space<vmem>> -> memref<32x128xf32, #tpu.memory_space<vmem>>
      %dma_start3A_211 = arith.constant 0 : i32
      %dma_start3A_212 = arith.constant 0 : i32
      %dma_start3A_213 = tpu.memref_slice %arg20[%dma_start3A_211, %dma_start3A_212] : memref<10240x128xf32, #tpu.memory_space<vmem_shared>> -> memref<10240x128xf32, #tpu.memory_space<vmem_shared>>
      tpu.enqueue_indirect_dma source(%dma_start3A_210 : memref<32x128xf32, #tpu.memory_space<vmem>>) target(%dma_start3A_213 : memref<10240x128xf32, #tpu.memory_space<vmem_shared>>) offsets(%arg19 : memref<32xi32, #tpu.memory_space<vmem>>) semaphore(%run_scoped3A : memref<!tpu.dma_semaphore, #tpu.memory_space<semaphore_mem>>) {add = true}
      %dma_wait3A_214 = arith.constant 0 : i32
      %dma_wait3A_215 = arith.constant 0 : i32
      %dma_wait3A_216 = tpu.memref_slice %arg14[%dma_wait3A_214, %dma_wait3A_215] : memref<128x128xf32, #tpu.memory_space<vmem>> -> memref<32x128xf32, #tpu.memory_space<vmem>>
      %dma_wait3A_217 = arith.constant 0 : i32
      %dma_wait3A_218 = arith.constant 0 : i32
      %dma_wait3A_219 = tpu.memref_slice %arg20[%dma_wait3A_217, %dma_wait3A_218] : memref<10240x128xf32, #tpu.memory_space<vmem_shared>> -> memref<10240x128xf32, #tpu.memory_space<vmem_shared>>
      tpu.wait_indirect_dma semaphore(%run_scoped3A : memref<!tpu.dma_semaphore, #tpu.memory_space<semaphore_mem>>) src(%dma_wait3A_216 : memref<32x128xf32, #tpu.memory_space<vmem>>) dst(%dma_wait3A_219 : memref<10240x128xf32, #tpu.memory_space<vmem_shared>>)
      tpu.yield
    }) : () -> ()
    "tpu.region"() ({
      %run_scoped3A = tpu.sem_alloc : memref<!tpu.dma_semaphore, #tpu.memory_space<semaphore_mem>>
      %dma_start3A_208 = arith.constant 0 : i32
      %dma_start3A_209 = tpu.memref_slice %arg16[%dma_start3A_208] : memref<128xf32, #tpu.memory_space<vmem>> -> memref<32xf32, #tpu.memory_space<vmem>>
      %dma_start3A_210 = arith.constant 0 : i32
      %dma_start3A_211 = tpu.memref_slice %arg21[%dma_start3A_210] : memref<10240xf32, #tpu.memory_space<vmem_shared>> -> memref<10240xf32, #tpu.memory_space<vmem_shared>>
      tpu.enqueue_indirect_dma source(%dma_start3A_209 : memref<32xf32, #tpu.memory_space<vmem>>) target(%dma_start3A_211 : memref<10240xf32, #tpu.memory_space<vmem_shared>>) offsets(%arg19 : memref<32xi32, #tpu.memory_space<vmem>>) semaphore(%run_scoped3A : memref<!tpu.dma_semaphore, #tpu.memory_space<semaphore_mem>>) {add = true}
      %dma_wait3A_212 = arith.constant 0 : i32
      %dma_wait3A_213 = tpu.memref_slice %arg16[%dma_wait3A_212] : memref<128xf32, #tpu.memory_space<vmem>> -> memref<32xf32, #tpu.memory_space<vmem>>
      %dma_wait3A_214 = arith.constant 0 : i32
      %dma_wait3A_215 = tpu.memref_slice %arg21[%dma_wait3A_214] : memref<10240xf32, #tpu.memory_space<vmem_shared>> -> memref<10240xf32, #tpu.memory_space<vmem_shared>>
      tpu.wait_indirect_dma semaphore(%run_scoped3A : memref<!tpu.dma_semaphore, #tpu.memory_space<semaphore_mem>>) src(%dma_wait3A_213 : memref<32xf32, #tpu.memory_space<vmem>>) dst(%dma_wait3A_215 : memref<10240xf32, #tpu.memory_space<vmem_shared>>)
      tpu.yield
    }) : () -> ()
    %barrier3A_203 = arith.constant 0 : index
    tpu.barrier barrier_id(%barrier3A_203)
    "tpu.region"() ({
      %run_scoped3A = tpu.sem_alloc : memref<!tpu.dma_semaphore, #tpu.memory_space<semaphore_mem>>
      %dma_start3A_208 = arith.constant 0 : i32
      %dma_start3A_209 = tpu.memref_slice %arg4[%arg0, %multiple_of3A, %dma_start3A_208] : memref<2x10240x128xf32, #tpu.memory_space<hbm>> -> memref<1x640x128xf32, #tpu.memory_space<hbm>>
      %dma_start3A_210 = tpu.memref_squeeze %dma_start3A_209 : memref<1x640x128xf32, #tpu.memory_space<hbm>> -> memref<640x128xf32, #tpu.memory_space<hbm>>
      %dma_start3A_211 = arith.constant 0 : i32
      %dma_start3A_212 = tpu.memref_slice %arg20[%multiple_of3A, %dma_start3A_211] : memref<10240x128xf32, #tpu.memory_space<vmem_shared>> -> memref<640x128xf32, #tpu.memory_space<vmem_shared>>
      tpu.enqueue_dma source(%dma_start3A_212 : memref<640x128xf32, #tpu.memory_space<vmem_shared>>) target(%dma_start3A_210 : memref<640x128xf32, #tpu.memory_space<hbm>>) target_semaphore(%run_scoped3A : memref<!tpu.dma_semaphore, #tpu.memory_space<semaphore_mem>>)
      %dma_wait3A_213 = arith.constant 0 : i32
      %dma_wait3A_214 = tpu.memref_slice %arg4[%arg0, %multiple_of3A, %dma_wait3A_213] : memref<2x10240x128xf32, #tpu.memory_space<hbm>> -> memref<1x640x128xf32, #tpu.memory_space<hbm>>
      %dma_wait3A_215 = tpu.memref_squeeze %dma_wait3A_214 : memref<1x640x128xf32, #tpu.memory_space<hbm>> -> memref<640x128xf32, #tpu.memory_space<hbm>>
      %dma_wait3A_216 = arith.constant 0 : i32
      %dma_wait3A_217 = tpu.memref_slice %arg20[%multiple_of3A, %dma_wait3A_216] : memref<10240x128xf32, #tpu.memory_space<vmem_shared>> -> memref<640x128xf32, #tpu.memory_space<vmem_shared>>
      tpu.wait_dma2 semaphore(%run_scoped3A : memref<!tpu.dma_semaphore, #tpu.memory_space<semaphore_mem>>) src(%dma_wait3A_217 : memref<640x128xf32, #tpu.memory_space<vmem_shared>>) dst(%dma_wait3A_215 : memref<640x128xf32, #tpu.memory_space<hbm>>)
      tpu.yield
    }) : () -> ()
    %mul3A_204 = arith.constant 10240 : i32
    %mul3A_205 = arith.muli %arg0, %mul3A_204 : i32
    %add3A_206 = arith.addi %mul3A_205, %multiple_of3A : i32
    %multiple_of3A_207 = tpu.assume_multiple %add3A_206, 8 : i32
    "tpu.region"() ({
      %run_scoped3A = tpu.sem_alloc : memref<!tpu.dma_semaphore, #tpu.memory_space<semaphore_mem>>
      %dma_start3A_208 = tpu.memref_slice %arg5[%multiple_of3A_207] : memref<20480xf32, #tpu.memory_space<hbm>> -> memref<640xf32, #tpu.memory_space<hbm>>
      %dma_start3A_209 = tpu.memref_slice %arg21[%multiple_of3A] : memref<10240xf32, #tpu.memory_space<vmem_shared>> -> memref<640xf32, #tpu.memory_space<vmem_shared>>
      tpu.enqueue_dma source(%dma_start3A_209 : memref<640xf32, #tpu.memory_space<vmem_shared>>) target(%dma_start3A_208 : memref<640xf32, #tpu.memory_space<hbm>>) target_semaphore(%run_scoped3A : memref<!tpu.dma_semaphore, #tpu.memory_space<semaphore_mem>>)
      %dma_wait3A_210 = tpu.memref_slice %arg5[%multiple_of3A_207] : memref<20480xf32, #tpu.memory_space<hbm>> -> memref<640xf32, #tpu.memory_space<hbm>>
      %dma_wait3A_211 = tpu.memref_slice %arg21[%multiple_of3A] : memref<10240xf32, #tpu.memory_space<vmem_shared>> -> memref<640xf32, #tpu.memory_space<vmem_shared>>
      tpu.wait_dma2 semaphore(%run_scoped3A : memref<!tpu.dma_semaphore, #tpu.memory_space<semaphore_mem>>) src(%dma_wait3A_211 : memref<640xf32, #tpu.memory_space<vmem_shared>>) dst(%dma_wait3A_210 : memref<640xf32, #tpu.memory_space<hbm>>)
      tpu.yield
    }) : () -> ()
    return
  }
}

module attributes {stable_mosaic.version = 14 : i64} {
  func.func @_self_body(%arg0: i32, %arg1: memref<1000x128xf32, #tpu.memory_space<vmem>>, %arg2: memref<128x128xf32, #tpu.memory_space<vmem>>, %arg3: memref<128xf32, #tpu.memory_space<vmem>>, %arg4: memref<128xf32, #tpu.memory_space<vmem>>, %arg5: memref<128xf32, #tpu.memory_space<vmem>>, %arg6: memref<1000x128xf32, #tpu.memory_space<vmem>>) attributes {dimension_semantics = [#tpu.dimension_semantics<arbitrary>], iteration_bounds = array<i64: 10>, scalar_prefetch = 0 : i64, scratch_operands = 0 : i64, tpu.core_type = #tpu.core_type<tc>, window_params = [{transform_indices = @transform_0, window_bounds = array<i64: 1000, 128>}, {pipeline_mode = #tpu.pipeline_mode<synchronous>, transform_indices = @transform_1, window_bounds = array<i64: 128, 128>}, {pipeline_mode = #tpu.pipeline_mode<synchronous>, transform_indices = @transform_2, window_bounds = array<i64: 128>}, {pipeline_mode = #tpu.pipeline_mode<synchronous>, transform_indices = @transform_3, window_bounds = array<i64: 128>}, {pipeline_mode = #tpu.pipeline_mode<synchronous>, transform_indices = @transform_4, window_bounds = array<i64: 128>}, {transform_indices = @transform_5, window_bounds = array<i64: 1000, 128>}]} {
    %get3A = arith.constant 0 : index
    %get3A_0 = arith.constant 0 : index
    %get3A_1 = vector.load %arg1[%get3A, %get3A_0] : memref<1000x128xf32, #tpu.memory_space<vmem>>, vector<1000x128xf32>
    %get3A_2 = arith.constant 0 : index
    %get3A_3 = arith.constant 0 : index
    %get3A_4 = vector.load %arg2[%get3A_2, %get3A_3] : memref<128x128xf32, #tpu.memory_space<vmem>>, vector<128x128xf32>
    %dot_general3A = arith.constant dense<0.000000e+00> : vector<1000x128xf32>
    %dot_general3A_5 = tpu.matmul %get3A_1, %get3A_4, %dot_general3A {dimension_numbers = #tpu.dot_dimension_numbers<[1], [0], [0], [1], [0, 0, 1, 1], [], []>, transpose_lhs_hint = false} : vector<1000x128xf32>, vector<128x128xf32>, vector<1000x128xf32> -> vector<1000x128xf32>
    %get3A_6 = arith.constant 0 : index
    %get3A_7 = vector.load %arg3[%get3A_6] : memref<128xf32, #tpu.memory_space<vmem>>, vector<128xf32>
    %get3A_8 = arith.constant 0 : index
    %get3A_9 = vector.load %arg4[%get3A_8] : memref<128xf32, #tpu.memory_space<vmem>>, vector<128xf32>
    %mul3A = arith.constant 5.000000e-01 : f32
    %mul3A_10 = vector.broadcast %mul3A : f32 to vector<128xf32>
    %mul3A_11 = arith.mulf %mul3A_10, %get3A_9 : vector<128xf32>
    %add3A = arith.addf %get3A_7, %mul3A_11 : vector<128xf32>
    %get3A_12 = arith.constant 0 : index
    %get3A_13 = vector.load %arg5[%get3A_12] : memref<128xf32, #tpu.memory_space<vmem>>, vector<128xf32>
    %mul3A_14 = arith.constant 5.000000e-01 : f32
    %mul3A_15 = vector.broadcast %mul3A_14 : f32 to vector<128xf32>
    %mul3A_16 = arith.mulf %mul3A_15, %get3A_13 : vector<128xf32>
    %add3A_17 = arith.addf %add3A, %mul3A_16 : vector<128xf32>
    %broadcast_in_dim3A = vector.shape_cast %add3A_17 : vector<128xf32> to vector<1x128xf32>
    %add3A_18 = vector.broadcast %broadcast_in_dim3A : vector<1x128xf32> to vector<1000x128xf32>
    %add3A_19 = arith.addf %dot_general3A_5, %add3A_18 : vector<1000x128xf32>
    %swap3A = arith.constant 0 : index
    %swap3A_20 = arith.constant 0 : index
    %swap3A_21 = vector.load %arg6[%swap3A, %swap3A_20] : memref<1000x128xf32, #tpu.memory_space<vmem>>, vector<1000x128xf32>
    tpu.vector_store %arg6[%swap3A, %swap3A_20], %add3A_19 {strides = array<i32>} : memref<1000x128xf32, #tpu.memory_space<vmem>>, vector<1000x128xf32>,
    return
  }
  func.func @transform_0(%arg0: i32) -> (i32, i32) {
    %c0_i32 = arith.constant 0 : i32
    %c0_i32_0 = arith.constant 0 : i32
    return %arg0, %c0_i32 : i32, i32
  }
  func.func @transform_1(%arg0: i32) -> (i32, i32) {
    %c0_i32 = arith.constant 0 : i32
    %c0_i32_0 = arith.constant 0 : i32
    %c0_i32_1 = arith.constant 0 : i32
    return %c0_i32, %c0_i32_0 : i32, i32
  }
  func.func @transform_2(%arg0: i32) -> i32 {
    %c0_i32 = arith.constant 0 : i32
    %c0_i32_0 = arith.constant 0 : i32
    return %c0_i32 : i32
  }
  func.func @transform_3(%arg0: i32) -> i32 {
    %c0_i32 = arith.constant 0 : i32
    %c0_i32_0 = arith.constant 0 : i32
    return %c0_i32 : i32
  }
  func.func @transform_4(%arg0: i32) -> i32 {
    %c0_i32 = arith.constant 0 : i32
    %c0_i32_0 = arith.constant 0 : i32
    return %c0_i32 : i32
  }
  func.func @transform_5(%arg0: i32) -> (i32, i32) {
    %c0_i32 = arith.constant 0 : i32
    %c0_i32_0 = arith.constant 0 : i32
    return %arg0, %c0_i32 : i32, i32
  }
}

module attributes {stable_mosaic.version = 14 : i64} {
  func.func @_fin_body(%arg0: i32, %arg1: memref<1000x128xf32, #tpu.memory_space<vmem>>, %arg2: memref<1000x128xf32, #tpu.memory_space<vmem>>, %arg3: memref<1000x128xf32, #tpu.memory_space<vmem>>, %arg4: memref<1000x1xf32, #tpu.memory_space<vmem>>, %arg5: memref<1000x1xf32, #tpu.memory_space<vmem>>, %arg6: memref<128x128xf32, #tpu.memory_space<vmem>>, %arg7: memref<128x128xf32, #tpu.memory_space<vmem>>, %arg8: memref<1000x128xf32, #tpu.memory_space<vmem>>) attributes {dimension_semantics = [#tpu.dimension_semantics<arbitrary>], iteration_bounds = array<i64: 10>, scalar_prefetch = 0 : i64, scratch_operands = 0 : i64, tpu.core_type = #tpu.core_type<tc>, window_params = [{transform_indices = @transform_0, window_bounds = array<i64: 1000, 128>}, {transform_indices = @transform_1, window_bounds = array<i64: 1000, 128>}, {transform_indices = @transform_2, window_bounds = array<i64: 1000, 128>}, {transform_indices = @transform_3, window_bounds = array<i64: 1000, 1>}, {transform_indices = @transform_4, window_bounds = array<i64: 1000, 1>}, {pipeline_mode = #tpu.pipeline_mode<synchronous>, transform_indices = @transform_5, window_bounds = array<i64: 128, 128>}, {pipeline_mode = #tpu.pipeline_mode<synchronous>, transform_indices = @transform_6, window_bounds = array<i64: 128, 128>}, {transform_indices = @transform_7, window_bounds = array<i64: 1000, 128>}]} {
    %get3A = arith.constant 0 : index
    %get3A_0 = arith.constant 0 : index
    %get3A_1 = vector.load %arg4[%get3A, %get3A_0] : memref<1000x1xf32, #tpu.memory_space<vmem>>, vector<1000x1xf32>
    %max3A = arith.constant 1.000000e+00 : f32
    %max3A_2 = vector.broadcast %max3A : f32 to vector<1000x1xf32>
    %max3A_3 = arith.maximumf %get3A_1, %max3A_2 : vector<1000x1xf32>
    %div3A = arith.constant 5.000000e-01 : f32
    %div3A_4 = vector.broadcast %div3A : f32 to vector<1000x1xf32>
    %div3A_5 = arith.divf %div3A_4, %max3A_3 : vector<1000x1xf32>
    %get3A_6 = arith.constant 0 : index
    %get3A_7 = arith.constant 0 : index
    %get3A_8 = vector.load %arg5[%get3A_6, %get3A_7] : memref<1000x1xf32, #tpu.memory_space<vmem>>, vector<1000x1xf32>
    %max3A_9 = arith.constant 1.000000e+00 : f32
    %max3A_10 = vector.broadcast %max3A_9 : f32 to vector<1000x1xf32>
    %max3A_11 = arith.maximumf %get3A_8, %max3A_10 : vector<1000x1xf32>
    %div3A_12 = arith.constant 5.000000e-01 : f32
    %div3A_13 = vector.broadcast %div3A_12 : f32 to vector<1000x1xf32>
    %div3A_14 = arith.divf %div3A_13, %max3A_11 : vector<1000x1xf32>
    %get3A_15 = arith.constant 0 : index
    %get3A_16 = arith.constant 0 : index
    %get3A_17 = vector.load %arg1[%get3A_15, %get3A_16] : memref<1000x128xf32, #tpu.memory_space<vmem>>, vector<1000x128xf32>
    %get3A_18 = arith.constant 0 : index
    %get3A_19 = arith.constant 0 : index
    %get3A_20 = vector.load %arg2[%get3A_18, %get3A_19] : memref<1000x128xf32, #tpu.memory_space<vmem>>, vector<1000x128xf32>
    %mul3A = vector.broadcast %div3A_5 : vector<1000x1xf32> to vector<1000x128xf32>
    %mul3A_21 = arith.mulf %get3A_20, %mul3A : vector<1000x128xf32>
    %get3A_22 = arith.constant 0 : index
    %get3A_23 = arith.constant 0 : index
    %get3A_24 = vector.load %arg6[%get3A_22, %get3A_23] : memref<128x128xf32, #tpu.memory_space<vmem>>, vector<128x128xf32>
    %dot_general3A = arith.constant dense<0.000000e+00> : vector<1000x128xf32>
    %dot_general3A_25 = tpu.matmul %mul3A_21, %get3A_24, %dot_general3A {dimension_numbers = #tpu.dot_dimension_numbers<[1], [0], [0], [1], [0, 0, 1, 1], [], []>, transpose_lhs_hint = false} : vector<1000x128xf32>, vector<128x128xf32>, vector<1000x128xf32> -> vector<1000x128xf32>
    %add3A = arith.addf %get3A_17, %dot_general3A_25 : vector<1000x128xf32>
    %get3A_26 = arith.constant 0 : index
    %get3A_27 = arith.constant 0 : index
    %get3A_28 = vector.load %arg3[%get3A_26, %get3A_27] : memref<1000x128xf32, #tpu.memory_space<vmem>>, vector<1000x128xf32>
    %mul3A_29 = vector.broadcast %div3A_14 : vector<1000x1xf32> to vector<1000x128xf32>
    %mul3A_30 = arith.mulf %get3A_28, %mul3A_29 : vector<1000x128xf32>
    %get3A_31 = arith.constant 0 : index
    %get3A_32 = arith.constant 0 : index
    %get3A_33 = vector.load %arg7[%get3A_31, %get3A_32] : memref<128x128xf32, #tpu.memory_space<vmem>>, vector<128x128xf32>
    %dot_general3A_34 = arith.constant dense<0.000000e+00> : vector<1000x128xf32>
    %dot_general3A_35 = tpu.matmul %mul3A_30, %get3A_33, %dot_general3A_34 {dimension_numbers = #tpu.dot_dimension_numbers<[1], [0], [0], [1], [0, 0, 1, 1], [], []>, transpose_lhs_hint = false} : vector<1000x128xf32>, vector<128x128xf32>, vector<1000x128xf32> -> vector<1000x128xf32>
    %add3A_36 = arith.addf %add3A, %dot_general3A_35 : vector<1000x128xf32>
    %swap3A = arith.constant 0 : index
    %swap3A_37 = arith.constant 0 : index
    %swap3A_38 = vector.load %arg8[%swap3A, %swap3A_37] : memref<1000x128xf32, #tpu.memory_space<vmem>>, vector<1000x128xf32>
    tpu.vector_store %arg8[%swap3A, %swap3A_37], %add3A_36 {strides = array<i32>} : memref<1000x128xf32, #tpu.memory_space<vmem>>, vector<1000x128xf32>,
    return
  }
  func.func @transform_0(%arg0: i32) -> (i32, i32) {
    %c0_i32 = arith.constant 0 : i32
    %c0_i32_0 = arith.constant 0 : i32
    return %arg0, %c0_i32 : i32, i32
  }
  func.func @transform_1(%arg0: i32) -> (i32, i32) {
    %c0_i32 = arith.constant 0 : i32
    %c0_i32_0 = arith.constant 0 : i32
    return %arg0, %c0_i32 : i32, i32
  }
  func.func @transform_2(%arg0: i32) -> (i32, i32) {
    %c0_i32 = arith.constant 0 : i32
    %c0_i32_0 = arith.constant 0 : i32
    return %arg0, %c0_i32 : i32, i32
  }
  func.func @transform_3(%arg0: i32) -> (i32, i32) {
    %c0_i32 = arith.constant 0 : i32
    %c0_i32_0 = arith.constant 0 : i32
    return %arg0, %c0_i32 : i32, i32
  }
  func.func @transform_4(%arg0: i32) -> (i32, i32) {
    %c0_i32 = arith.constant 0 : i32
    %c0_i32_0 = arith.constant 0 : i32
    return %arg0, %c0_i32 : i32, i32
  }
  func.func @transform_5(%arg0: i32) -> (i32, i32) {
    %c0_i32 = arith.constant 0 : i32
    %c0_i32_0 = arith.constant 0 : i32
    %c0_i32_1 = arith.constant 0 : i32
    return %c0_i32, %c0_i32_0 : i32, i32
  }
  func.func @transform_6(%arg0: i32) -> (i32, i32) {
    %c0_i32 = arith.constant 0 : i32
    %c0_i32_0 = arith.constant 0 : i32
    %c0_i32_1 = arith.constant 0 : i32
    return %c0_i32, %c0_i32_0 : i32, i32
  }
  func.func @transform_7(%arg0: i32) -> (i32, i32) {
    %c0_i32 = arith.constant 0 : i32
    %c0_i32_0 = arith.constant 0 : i32
    return %arg0, %c0_i32 : i32, i32
  }
}

</mosaic_0001>

<sc_bundles>
// kernel: kernel.5.cloned.1.call-start
scs
__scs_entry_jumppad:
0x0: {  	(pc) =	sbr.rel $0x88, $3  }
0x1: {  	(tag) =	ssettag $0x0;
	lr =	simm.s32 $0x1  }
0x2: {  	[smem:$0x3F99] =	sst lr;
	_ =	strace $0xD0000000  }
0x3: {  	_ = 	snop  }
0x4: {  	_ = 	snop  }
0x5: {  	_ = 	snop  }
0x6: {  	_ = 	snop  }
0x7: {  	_ = 	snop  }
__scs_overlays_trampoline_lowered:
0x8: {  	[smem:$0x3FA8] =	sst s0  }
0x9: {  	[smem:$0x3FA9] =	sst s1  }
0xa: {  	[smem:$0x3FAA] =	sst s2  }
0xb: {  	[smem:$0x3FAB] =	sst s3  }
0xc: {  	[smem:$0x3FAC] =	sst s4  }
0xd: {  	[smem:$0x3FAD] =	sst s5  }
0xe: {  	[smem:$0x3FAE] =	sst s6  }
0xf: {  	[smem:$0x3FAF] =	sst s7  }
0x10: {  	[smem:$0x3FB0] =	sst s8  }
0x11: {  	[smem:$0x3FB1] =	sst s9;
	s0 =	simm.s32 @!p0 $0x0  }
0x12: {  	s1 =	sld [smem:$0x3F97];
	s0 =	simm.s32 @p0 $0x1  }
0x13: {  	[smem:$0x3FB2] =	sst s0;
	s0 =	simm.s32 @!p1 $0x0  }
0x14: {  	s2 =	sld [smem:$0x3F96];
	s0 =	simm.s32 @p1 $0x1  }
0x15: {  	[smem:$0x3FB3] =	sst s0;
	s0 =	simm.s32 @!p2 $0x0  }
0x16: {  	s3 =	sld [smem:$0x3FDB];
	s0 =	simm.s32 @p2 $0x1  }
0x17: {  	s4 =	simm.s32 $0x1BF5;
	[smem:$0x3FB5] =	sst s0  }
0x18: {  	s0 =	sld [smem:$0x3F98];
	_ =	swait.ge [sflag:s4], $0x0  }
0x19: {  	s7 =	sld [smem:$0x3F99]  }
0x1a: {  	s8 =	sadd.s32 $0xFFFFE003, lr  }
0x1b: {  	s9 =	sadd.s32 $0xFFFFFEF7, lr;
	s5 =	simm.s32 $0xFFFFFFFF;
	p2 =	slt.u32 s8, $0xFFFFF086  }
0x1c: {  	p1 =	slt.u32 s9, $0xF7A;
	s5 =	simm.s32 @!p2 $0x0  }
0x1d: {  	s5 =	simm.s32 @p1 $0x1;
	p0 =	seq.s32 s7, s2  }
0x1e: {  	s7 =	smul.u32 @!p0 $0xF7A, s2;
	p2 =	seq.s32 @!p0 s5, $0x0  }
0x1f: {  	s9 =	smul.u32 $0xF7A, s1;
	s8 =	simm.s32 @!p0 $0x1BF5;
	p2 =	por !p2, p0  }
0x20: {  	[sflag:s8] =	ssyncset.s32 @!p0 $0xFFFFF086;
	s6 =	sadd.s32 @!p0 s3, s7;
	s7 =	simm.s32 @!p0 $0x108  }
0x21: {  	s3 =	sadd.s32 s3, s9;
	s6 =	sadd.s32 @!p0 $0x88, s6;
	s7 =	simm.s32 @p2 $0x1082  }
0x22: {  	[simem:s7], [sflag:s8] =	dma.local @!p0 [hbm:s6], $0xF7A  }
0x23: {  	s9 =	sor.u32 $0xD0000000, s2;
	s6 =	simm.s32 $0x108;
	_ =	swait.ge @!p0 [sflag:s8], $0x0  }
0x24: {  	s3 =	sadd.s32 $0x88, s3;
	s6 =	simm.s32 @!p1 $0x1082;
	[sflag:s4] =	ssyncset.s32 $0xFFFFF086  }
0x25: {  	[simem:s6], [sflag:s4] =	dma.local [hbm:s3], $0xF7A  }
0x26: {  	[smem:$0x3F99] =	sst s1;
	(tag) =	ssettag s2;
	_ =	strace s9  }
0x27: {  	s1 =	sld [smem:$0x3FA9]  }
0x28: {  	s2 =	sld [smem:$0x3FAA]  }
0x29: {  	s4 =	sld [smem:$0x3FAC]  }
0x2a: {  	p0 =	seq.s32 s5, $0x0;
	s5 =	sld [smem:$0x3FAD]  }
0x2b: {  	s6 =	sld [smem:$0x3FAE]  }
0x2c: {  	s7 =	sld [smem:$0x3FAF]  }
0x2d: {  	s3 =	simm.s32 $0x108;
	s8 =	sld [smem:$0x3FB0]  }
0x2e: {  	s3 =	simm.s32 @!p0 $0x1082;
	s9 =	sld [smem:$0x3FB1]  }
0x2f: {  	lr =	sadd.s32 s0, s3;
	s0 =	sld [smem:$0x3FA8]  }
0x30: {  	s3 =	sld [smem:$0x3FAB]  }
0x31: {  	[smem:$0x3FB4] =	sst s10  }
0x32: {  	s10 =	sld [smem:$0x3FB2];
	_ =	sdelay $0x3  }
0x33: {  	p0 =	seq.s32 s10, $0x1;
	s10 =	sld [smem:$0x3FB4];
	_ =	sdelay $0x3  }
0x34: {  	[smem:$0x3FB4] =	sst s10  }
0x35: {  	s10 =	sld [smem:$0x3FB3];
	_ =	sdelay $0x3  }
0x36: {  	p1 =	seq.s32 s10, $0x1;
	s10 =	sld [smem:$0x3FB4];
	_ =	sdelay $0x3  }
0x37: {  	[smem:$0x3FB4] =	sst s10  }
0x38: {  	s10 =	sld [smem:$0x3FB5]  }
0x39: {  	_ = 	snop;
	(pc) =	sbr.ind lr, $3  }
0x3a: {  	_ = 	snop  }
0x3b: {  	_ = 	snop  }
0x3c: {  	p2 =	seq.s32 s10, $0x1;
	s10 =	sld [smem:$0x3FB4]  }
0x3d: {  	_ =	shalt  }
0x3e: {  	_ =	shalt  }
0x3f: {  	_ =	shalt  }
0x40: {  	_ =	shalt  }
0x41: {  	_ =	shalt  }
0x42: {  	_ =	shalt  }
0x43: {  	_ =	shalt  }
0x44: {  	_ =	shalt  }
0x45: {  	_ =	shalt  }
0x46: {  	_ =	shalt  }
0x47: {  	_ =	shalt  }
0x48: {  	_ =	shalt  }
0x49: {  	_ =	shalt  }
0x4a: {  	_ =	shalt  }
0x4b: {  	_ =	shalt  }
0x4c: {  	_ =	shalt  }
0x4d: {  	_ =	shalt  }
0x4e: {  	_ =	shalt  }
0x4f: {  	_ =	shalt  }
0x50: {  	_ =	shalt  }
0x51: {  	_ =	shalt  }
0x52: {  	_ =	shalt  }
0x53: {  	_ =	shalt  }
0x54: {  	_ =	shalt  }
0x55: {  	_ =	shalt  }
0x56: {  	_ =	shalt  }
0x57: {  	_ =	shalt  }
0x58: {  	_ =	shalt  }
0x59: {  	_ =	shalt  }
0x5a: {  	_ =	shalt  }
0x5b: {  	_ =	shalt  }
0x5c: {  	_ =	shalt  }
0x5d: {  	_ =	shalt  }
0x5e: {  	_ =	shalt  }
0x5f: {  	_ =	shalt  }
0x60: {  	_ =	shalt  }
0x61: {  	_ =	shalt  }
0x62: {  	_ =	shalt  }
0x63: {  	_ =	shalt  }
0x64: {  	_ =	shalt  }
0x65: {  	_ =	shalt  }
0x66: {  	_ =	shalt  }
0x67: {  	_ =	shalt  }
0x68: {  	_ =	shalt  }
0x69: {  	_ =	shalt  }
0x6a: {  	_ =	shalt  }
0x6b: {  	_ =	shalt  }
0x6c: {  	_ =	shalt  }
0x6d: {  	_ =	shalt  }
0x6e: {  	_ =	shalt  }
0x6f: {  	_ =	shalt  }
0x70: {  	_ =	shalt  }
0x71: {  	_ =	shalt  }
0x72: {  	_ =	shalt  }
0x73: {  	_ =	shalt  }
0x74: {  	_ =	shalt  }
0x75: {  	_ =	shalt  }
0x76: {  	_ =	shalt  }
0x77: {  	_ =	shalt  }
0x78: {  	_ =	shalt  }
0x79: {  	_ =	shalt  }
0x7a: {  	_ =	shalt  }
0x7b: {  	_ =	shalt  }
0x7c: {  	_ =	shalt  }
0x7d: {  	_ =	shalt  }
0x7e: {  	_ =	shalt  }
0x7f: {  	_ =	shalt  }
0x80: {  	_ =	shalt  }
0x81: {  	_ =	shalt  }
0x82: {  	_ =	shalt  }
0x83: {  	_ =	shalt  }
0x84: {  	_ =	shalt  }
0x85: {  	_ =	shalt  }
0x86: {  	_ =	shalt  }
0x87: {  	_ =	shalt  }
.Lfunc_end0:
.L_simem_size_0:
called_computation_lowered:
.L_overlay_start_0:
0x88: {  	s2 =	sld [smem:$0x3FD9]  }
0x89: {  	s3 =	sld [smem:$0x3FFE];
	_ =	sdelay $0x1  }
0x8a: {  	s1 =	srdreg.scid  }
0x8b: {  	s0 =	sand.u32 $0x1, s1  }
0x8c: {  	s17 =	sshll.u32 s0, $0xA;
	s2 =	sadd.s32 s3, s2  }
0x8d: {  	s2 =	sadd.s32 s2, s17  }
0x8e: {  	[smem:$0x3FC0] =	sst s2  }
0x8f: {  	_ = 	snop  }
0x90: {  	s2 =	sld [smem:$0x3FC9]  }
0x91: {  	s18 =	sld [smem:$0x3FD0];
	(tm) =	ssettm $0x1  }
0x92: {  	s4 =	sld [smem:$0x3FFB];
	_ =	sdelay $0x3  }
0x93: {  	_ =	strace s4  }
0x94: {  	s4 =	sld [smem:$0x3FFC];
	_ =	sdelay $0x3  }
0x95: {  	_ =	strace s4  }
0x96: {  	s4 =	sld [smem:$0x3FFD];
	_ =	sdelay $0x3  }
0x97: {  	_ =	strace s4  }
0x98: {  	_ =	strace $0x8FFFFFFF  }
0x99: {  	s19 =	sld [smem:$0x3FDB];
	_ =	sdelay $0x1  }
0x9a: {  	s5 =	simm.s32 $_scs_section_size  }
0x9b: {  	s6 =	simm.s32 $_size__tile_overlayer_lowered;
	s7 =	simm.s32 $_tile_overlayer_lowered  }
0x9c: {  	s22 =	simm.s32 $0x1BFF;
	s21 =	sshll.u32 s7, $0x1;
	s4 =	sadd.s32 s5, s19  }
0x9d: {  	s8 =	simm.s32 $0x0;
	s20 =	sshll.u32 s6, $0x1;
	s6 =	sadd.s32 s21, s4  }
0x9e: {  	[timem:s8], [sflag:s22] =	dma.local [hbm:s6], s20  }
0x9f: {  	_ =	swait.ge [sflag:s22], s20  }
0xa0: {  	s5 =	ssub.s32 $0x0, s20;
	[sflag:s22] =	ssyncset.done $0x0  }
0xa1: {  	[sflag:s22] =	ssyncadd.s32 s5;
	_ =	sdelay $0x1  }
0xa2: {  	s23 =	simm.s32 $0x1B8B  }
0xa3: {  	_ =	swait.ge [sflag:s23], $0x1  }
0xa4: {  	[sflag:s23] =	ssyncset.done $0x0  }
0xa5: {  	s25 =	simm.s32 $0x1B8E;
	s24 =	sld [smem:$0x3FFE];
	[sflag:s23] =	ssyncadd.s32 $0xFFFFFFFF  }
0xa6: {  	s26 =	simm.s32 $execute0_lowered;
	[smem:$0x3FD2] =	sst s25  }
0xa7: {  	s6 =	sshll.u32 s26, $0x1;
	_ =	strace $0x80000046;
	[dreg:$0x1] =	wrdreg $0xFFFFFFFF  }
0xa8: {  	s28 =	simm.s32 $_size_execute0_lowered;
	s4 =	sadd.s32 s4, s6;
	[dreg:$0x0] =	wrdreg $0x0  }
0xa9: {  	s6 =	sshll.u32 s28, $0x1;
	[dreg:$0x2] =	wrdreg s4  }
0xaa: {  	[dreg:$0x3] =	wrdreg s6  }
0xab: {  	[dreg:$0x4] =	wrdreg $0xC0  }
0xac: {  	_ =	task [dreg:s8], $0x5FFFF  }
0xad: {  	[dreg:$0x1] =	wrdreg $0xFFFFFFFF  }
0xae: {  	[dreg:$0x0] =	wrdreg $0x60  }
0xaf: {  	[dreg:$0x2] =	wrdreg s2  }
0xb0: {  	[dreg:$0x3] =	wrdreg s18  }
0xb1: {  	[dreg:$0x4] =	wrdreg s24  }
0xb2: {  	[dreg:$0x5] =	wrdreg $0x88000  }
0xb3: {  	[dreg:$0x6] =	wrdreg $0x1C8000  }
0xb4: {  	[dreg:$0x7] =	wrdreg $0x9  }
0xb5: {  	_ =	task.clear_ibuf [dreg:s8], $0x8FFFF;
	_ =	strace $0x90000046  }
0xb6: {  	s29 =	simm.s32 $0x9;
	_ =	strace $0x80000048  }
0xb7: {  	_ =	swait.ge [sflag:s29], $0x1  }
0xb8: {  	[sflag:s29] =	ssyncadd.s32 $0xFFFFFFFF  }
0xb9: {  	_ =	strace $0x90000048  }
0xba: {  	_ =	sfence  }
0xbb: {  	s30 =	sld [smem:$0x0];
	_ =	sdelay $0x2  }
0xbc: {  	s31 =	sshll.u32 s1, $0xD;
	s1 =	sshrl.u32 s1, $0x2  }
0xbd: {  	s3 =	sand.u32 $0x4000, s31;
	s1 =	sadd.s32 s1, s30  }
0xbe: {  	s0 =	sor.u32 s3, s0;
	s1 =	sshll.u32 s1, $0x11  }
0xbf: {  	s0 =	sor.u32 s1, s0  }
0xc0: {  	s0 =	sadd.s32 $0x8F2B, s0  }
0xc1: {  	[sflag:s0] =	ssyncadd.remote.s32 $0x1  }
0xc2: {  	_ =	sfence.sel $0xFFFF  }
0xc3: {  	[dreg:$0x0] =	wrdreg $0xFFFFFFFF;
	(pc) =	sbr.abs _section_cstart, $3  }
0xc4: {  	[dreg:$0x1] =	wrdreg $0xFFFFFFFF  }
0xc5: {  	_ =	task.clear_ibuf [dreg:s8], $0x2FFFF;
	_ =	strace $0x9FFFFFFF  }
0xc6: {  	(tm) =	ssettm $0x7FFFFFFF  }
0xc7: {  	_ =	shalt  }
tec
execute0_lowered:
.L_overlay_start_1:
0x0: {  	(tag) =	ssettag $0x1  }
0x1: {  	s0 =	rddreg [dreg:$0x0]  }
0x2: {  	s2 =	rddreg [dreg:$0x1];
	s1 =	srdreg.scid  }
0x3: {  	s3 =	rddreg [dreg:$0x2];
	s13 =	stileid.u32  }
0x4: {  	s4 =	rddreg [dreg:$0x3];
	s8 =	smul.u32 $0x14000, s13  }
0x5: {  	s5 =	rddreg [dreg:$0x4];
	s6 =	simm.s32 $0x0;
	s9 =	smul.u32 $0x280, s13  }
0x6: {  	s29 =	simm.s32 $0x400;
	s30 =	simm.s32 $0xB;
	s21 =	smul.u32 $0x50000, s13  }
0x7: {  	s31 =	simm.s32 $0x100;
	s1 =	sand.u32 $0x1, s1;
	s23 =	smul.u32 $0x4E20, s13  }
0x8: {  	s28 =	simm.s32 $0x3;
	[smem:$0x7FF] =	sst s6;
	s7 =	smul.u32 $0x140000, s1  }
0x9: {  	s10 =	smul.u32 $0x2800, s1;
	_ =	strace $0x80000047;
	s22 =	ssub.s32 $0x2, s1  }
0xa: {  	s12 =	smul.u32 $0x4E200, s1;
	s1 =	sxor.u32 $0x1, s1;
	s11 =	sshrl.u32 s22, $0x1  }
0xb: {  	s1 =	smul.u32 $0x4E200, s1;
	s25 =	sadd.s32 s9, s5;
	s18 =	sadd.s32 $0x4E00, s23  }
0xc: {  	s7 =	sadd.s32 s8, s7;
	s20 =	sadd.s32 s9, s10;
	s10 =	sshrl.u32 s21, $0x2  }
0xd: {  	[dreg:$0x11] =	wrdreg s25;
	s7 =	sshrl.u32 s7, $0x3;
	s24 =	sadd.s32 s10, s4  }
0xe: {  	s8 =	sshrl.u32 s20, $0x3;
	s26 =	sadd.s32 $0x4000, s24;
	[dreg:$0xc] =	wrdreg s24  }
0xf: {  	s7 =	sadd.s32 s7, s3;
	s13 =	sadd.s32 $0x8000, s24;
	[dreg:$0xd] =	wrdreg s26  }
0x10: {  	s3 =	sadd.s32 s8, s3;
	s14 =	sadd.s32 $0xC000, s24;
	[dreg:$0xe] =	wrdreg s13  }
0x11: {  	s8 =	ssub.s32 s22, s11;
	s15 =	sadd.s32 $0x10000, s24;
	[dreg:$0xf] =	wrdreg s14  }
0x12: {  	s11 =	sadd.s32 s23, s12;
	s12 =	sadd.s32 s12, s18;
	[dreg:$0x10] =	wrdreg s15  }
0x13: {  	s16 =	sshrl.u32 s11, $0x3;
	s14 =	sadd.s32 s23, s1;
	s1 =	sadd.s32 s18, s1  }
0x14: {  	s21 =	sadd.s32 $0x300, s11;
	s26 =	sadd.s32 $0x280, s11;
	s12 =	sshrl.u32 s12, $0x3  }
0x15: {  	s15 =	sadd.s32 s2, s16;
	s17 =	sshrl.u32 s14, $0x3;
	s19 =	sadd.s32 $0x300, s14  }
0x16: {  	s22 =	sshrl.u32 s21, $0x3;
	s23 =	sadd.s32 $0x280, s14;
	s18 =	sshrl.u32 s26, $0x3  }
0x17: {  	s1 =	sshrl.u32 s1, $0x3;
	s13 =	sadd.s32 $0x10, s15;
	[dreg:$0x12] =	wrdreg s15  }
0x18: {  	s16 =	sadd.s32 s2, s17;
	s9 =	sadd.s32 s22, s2;
	[dreg:$0x14] =	wrdreg s13  }
0x19: {  	s10 =	sshrl.u32 s19, $0x3;
	s19 =	sadd.s32 s18, s2;
	[dreg:$0x7] =	wrdreg s9  }
0x1a: {  	s22 =	sadd.s32 $0x380, s11;
	s26 =	sadd.s32 $0x20, s15;
	[dreg:$0x9] =	wrdreg s19  }
0x1b: {  	s1 =	sadd.s32 s2, s1;
	s18 =	sadd.s32 $0x2200, s7;
	[dreg:$0x16] =	wrdreg s26  }
0x1c: {  	s20 =	sadd.s32 s10, s2;
	s10 =	sshrl.u32 s23, $0x3;
	[dreg:$0x19] =	wrdreg s1  }
0x1d: {  	s23 =	sadd.s32 $0x10, s16;
	s13 =	sadd.s32 $0x20, s16;
	[dreg:$0x1a] =	wrdreg s18  }
0x1e: {  	s19 =	sadd.s32 $0x52200, s3;
	[dreg:$0x13] =	wrdreg s16;
	s26 =	sadd.s32 $0x30, s16  }
0x1f: {  	s3 =	simm.s32 $0x80;
	s1 =	simm.s32 $0x180;
	[dreg:$0x6] =	wrdreg s20  }
0x20: {  	s16 =	simm.s32 $0x280;
	s18 =	simm.s32 $0x7;
	[dreg:$0x15] =	wrdreg s23  }
0x21: {  	s17 =	sadd.s32 s10, s2;
	s20 =	sadd.s32 $0x380, s14;
	[dreg:$0x17] =	wrdreg s13  }
0x22: {  	s10 =	sshrl.u32 s22, $0x3;
	[dreg:$0x1b] =	wrdreg s19;
	s22 =	sadd.s32 $0x200, s11  }
0x23: {  	s23 =	sadd.s32 $0x30, s15;
	[smem:$0x7FD] =	sst s26;
	s11 =	simm.s32 $0x8400  }
0x24: {  	s15 =	simm.s32 $0x200;
	s19 =	simm.s32 $0x5;
	s26 =	simm.s32 $0x9  }
0x25: {  	s13 =	simm.s32 $0xA;
	[dreg:$0x8] =	wrdreg s17;
	s21 =	sshrl.u32 s20, $0x3  }
0x26: {  	s10 =	sadd.s32 s10, s2;
	s17 =	sadd.s32 s2, s12;
	[dreg:$0x1e] =	wrdreg s22  }
0x27: {  	s20 =	smax.u32 s8, $0x1;
	[dreg:$0x1f] =	wrdreg s23;
	s8 =	simm.s32 $0x1  }
0x28: {  	s22 =	simm.s32 $0x8;
	s23 =	simm.s32 $0x6;
	[dreg:$0xb] =	wrdreg s10  }
0x29: {  	s12 =	simm.s32 $0x0;
	s9 =	sadd.s32 s21, s2;
	[dreg:$0x18] =	wrdreg s17  }
0x2a: {  	[dreg:$0x1c] =	wrdreg s20;
	s21 =	sadd.s32 $0x200, s14;
	s10 =	simm.s32 $0x4400  }
0x2b: {  	s17 =	simm.s32 $0x2;
	s20 =	simm.s32 $0x300;
	[dreg:$0xa] =	wrdreg s9  }
0x2c: {  	v0 =	vimm.f32 $0.0e+00;
	v1 =	vimm.f32 $1.000000000e+00;
	[dreg:$0x1d] =	wrdreg s21;
	s9 =	simm.s32 $0x4;
	s21 =	simm.s32 $0x380  }
.LBB2_1:
0x2d: {  	[smem:$0x7FC] =	sst s12;
	s7 =	simm.s32 $0x0;
	s12 =	simm.s32 $0x200  }
.LBB2_2:
0x2e: {  	p0 =	sne.s32 s12, $0xFE00;
	[tilespmem:s7+$0x470] =	vst v0  }
0x2f: {  	[tilespmem:s7+$0x400] =	vst v0  }
0x30: {  	[tilespmem:s7+$0x410] =	vst v0  }
.Ltmp0:
0x31: {  	[tilespmem:s7+$0x420] =	vst v0;
	(pc) =	sbr.rel @p0 .LBB2_2-.Ltmp0, $4  }
0x32: {  	[tilespmem:s7+$0x430] =	vst v0  }
0x33: {  	[tilespmem:s7+$0x440] =	vst v0  }
0x34: {  	[tilespmem:s7+$0x450] =	vst v0  }
0x35: {  	[tilespmem:s7+$0x460] =	vst v0;
	s7 =	sshra.s32 s12, $0x2;
	s12 =	sadd.s32 $0x200, s12  }
0x36: {  	[tilespmem:s7+$0x470] =	vst v0  }
0x37: {  	[tilespmem:s7+$0x400] =	vst v0  }
0x38: {  	[tilespmem:s7+$0x410] =	vst v0  }
0x39: {  	[tilespmem:s7+$0x420] =	vst v0  }
0x3a: {  	[tilespmem:s7+$0x430] =	vst v0  }
0x3b: {  	[tilespmem:s7+$0x440] =	vst v0  }
0x3c: {  	[tilespmem:s7+$0x450] =	vst v0  }
0x3d: {  	[tilespmem:s7+$0x460] =	vst v0  }
0x3e: {  	[tilespmem:$0x8480] =	vst v0  }
0x3f: {  	[tilespmem:$0x8490] =	vst v0  }
0x40: {  	[tilespmem:$0x84A0] =	vst v0  }
0x41: {  	[tilespmem:$0x84B0] =	vst v0  }
0x42: {  	[tilespmem:$0x84C0] =	vst v0  }
0x43: {  	[tilespmem:$0x84D0] =	vst v0  }
0x44: {  	[tilespmem:$0x84E0] =	vst v0  }
0x45: {  	[tilespmem:$0x84F0] =	vst v0  }
0x46: {  	[tilespmem:$0x8500] =	vst v0  }
0x47: {  	[tilespmem:$0x8510] =	vst v0  }
0x48: {  	[tilespmem:$0x8520] =	vst v0  }
0x49: {  	[tilespmem:$0x8530] =	vst v0  }
0x4a: {  	[tilespmem:$0x8540] =	vst v0  }
0x4b: {  	[tilespmem:$0x8550] =	vst v0  }
0x4c: {  	[tilespmem:$0x8560] =	vst v0  }
0x4d: {  	[tilespmem:$0x8570] =	vst v0  }
0x4e: {  	[tilespmem:$0x8580] =	vst v0  }
0x4f: {  	[tilespmem:$0x8590] =	vst v0  }
0x50: {  	[tilespmem:$0x85A0] =	vst v0  }
0x51: {  	[tilespmem:$0x85B0] =	vst v0  }
0x52: {  	[tilespmem:$0x85C0] =	vst v0  }
0x53: {  	[tilespmem:$0x85D0] =	vst v0  }
0x54: {  	[tilespmem:$0x85E0] =	vst v0  }
0x55: {  	[tilespmem:$0x85F0] =	vst v0  }
0x56: {  	[tilespmem:$0x8600] =	vst v0  }
0x57: {  	[tilespmem:$0x8610] =	vst v0  }
0x58: {  	[tilespmem:$0x8620] =	vst v0  }
0x59: {  	[tilespmem:$0x8630] =	vst v0  }
0x5a: {  	[tilespmem:$0x8640] =	vst v0  }
0x5b: {  	[tilespmem:$0x8650] =	vst v0  }
0x5c: {  	[tilespmem:$0x8660] =	vst v0  }
0x5d: {  	[tilespmem:$0x8670] =	vst v0  }
0x5e: {  	[tilespmem:$0x8680] =	vst v0  }
0x5f: {  	[tilespmem:$0x8690] =	vst v0  }
0x60: {  	[tilespmem:$0x86A0] =	vst v0  }
0x61: {  	[tilespmem:$0x86B0] =	vst v0  }
0x62: {  	[tilespmem:$0x86C0] =	vst v0  }
0x63: {  	[tilespmem:$0x86D0] =	vst v0  }
0x64: {  	[tilespmem:$0x86E0] =	vst v0  }
0x65: {  	[tilespmem:$0x86F0] =	vst v0  }
0x66: {  	[tilespmem:$0x8400] =	vst v1  }
0x67: {  	[tilespmem:$0x8410] =	vst v1  }
0x68: {  	[tilespmem:$0x8420] =	vst v1  }
0x69: {  	[tilespmem:$0x8430] =	vst v1  }
0x6a: {  	[tilespmem:$0x8440] =	vst v1  }
0x6b: {  	[tilespmem:$0x8450] =	vst v1  }
0x6c: {  	[tilespmem:$0x8460] =	vst v1  }
0x6d: {  	[tilespmem:$0x8470] =	vst v1  }
0x6e: {  	[spmem:s24] =	stream.linear.scatter [tilespmem:s29], [sflag:$0xB], $0x4000, $0x38;
	[tilespmem:$0x1CA80] =	vst v63  }
0x6f: {  	_ =	swait.ge [sflag:s30], $0x4000  }
0x70: {  	[sflag:s30] =	ssyncset.done $0x0  }
0x71: {  	s14 =	rddreg [dreg:$0xd];
	[sflag:s30] =	ssyncadd.s32 $0xFFFFC000  }
0x72: {  	[spmem:s14] =	stream.linear.scatter [tilespmem:s29], [sflag:$0xB], $0x4000, $0x38;
	[tilespmem:$0x1CA80] =	vst v63  }
0x73: {  	_ =	swait.ge [sflag:s30], $0x4000  }
0x74: {  	[sflag:s30] =	ssyncset.done $0x0  }
0x75: {  	s24 =	rddreg [dreg:$0xe];
	[sflag:s30] =	ssyncadd.s32 $0xFFFFC000  }
0x76: {  	[spmem:s24] =	stream.linear.scatter [tilespmem:s29], [sflag:$0xB], $0x4000, $0x38;
	[tilespmem:$0x1CA80] =	vst v63  }
0x77: {  	_ =	swait.ge [sflag:s30], $0x4000  }
0x78: {  	[sflag:s30] =	ssyncset.done $0x0  }
0x79: {  	s12 =	rddreg [dreg:$0xf];
	[sflag:s30] =	ssyncadd.s32 $0xFFFFC000  }
0x7a: {  	[spmem:s12] =	stream.linear.scatter [tilespmem:s29], [sflag:$0xB], $0x4000, $0x38;
	[tilespmem:$0x1CA80] =	vst v63  }
0x7b: {  	_ =	swait.ge [sflag:s30], $0x4000  }
0x7c: {  	[sflag:s30] =	ssyncset.done $0x0  }
0x7d: {  	s14 =	rddreg [dreg:$0x10];
	[sflag:s30] =	ssyncadd.s32 $0xFFFFC000  }
0x7e: {  	[spmem:s14] =	stream.linear.scatter [tilespmem:s29], [sflag:$0xB], $0x4000, $0x38;
	[tilespmem:$0x1CA80] =	vst v63  }
0x7f: {  	_ =	swait.ge [sflag:s30], $0x4000  }
0x80: {  	[sflag:s30] =	ssyncset.done $0x0  }
0x81: {  	s24 =	simm.s32 $0x8480;
	[sflag:s30] =	ssyncadd.s32 $0xFFFFC000  }
0x82: {  	[spmem:s25] =	stream.linear.scatter [tilespmem:s24], [sflag:$0xB], $0x280, $0x38;
	[tilespmem:$0x1CA80] =	vst v63  }
0x83: {  	_ =	swait.ge [sflag:s30], $0x280  }
0x84: {  	[sflag:s30] =	ssyncset.done $0x0  }
0x85: {  	[sflag:s30] =	ssyncadd.s32 $0xFFFFFD80  }
0x86: {  	[bflag:$0x0] =	sbarrier.arrive $0xFFFF  }
0x87: {  	s7 =	simm.s32 $0x0;
	s12 =	rddreg [dreg:$0x12]  }
0x88: {  	[tilespmem:s7], [sflag:$0xB] =	stream.linear.gather [hbm4b:s12+s7], $0x80, $0x38;
	[tilespmem:$0x1CA80] =	vst v63  }
0x89: {  	_ =	swait.ge [sflag:s30], $0x80  }
0x8a: {  	[sflag:s30] =	ssyncset.done $0x0  }
0x8b: {  	s25 =	rddreg [dreg:$0x13];
	[sflag:s30] =	ssyncadd.s32 $0xFFFFFF80  }
0x8c: {  	[tilespmem:s3], [sflag:$0xB] =	stream.linear.gather [hbm4b:s25+s7], $0x80, $0x38;
	[tilespmem:$0x1CA80] =	vst v63  }
0x8d: {  	_ =	swait.ge [sflag:s30], $0x80  }
0x8e: {  	[sflag:s30] =	ssyncset.done $0x0  }
0x8f: {  	[sflag:s30] =	ssyncadd.s32 $0xFFFFFF80  }
0x90: {  	[tilespmem:s29], [sflag:$0x1] =	stream.indirect.gather [hbm4b:s0+s3], $0x80, s7, s3, $0xb8;
	[tilespmem:$0x1CA80] =	vst v63  }
0x91: {  	s30 =	rddreg [dreg:$0x14]  }
0x92: {  	[tilespmem:s31], [sflag:$0x4] =	stream.linear.gather [hbm4b:s30+s7], $0x80, $0x38;
	[tilespmem:$0x1CA80] =	vst v63  }
0x93: {  	s14 =	rddreg [dreg:$0x15]  }
0x94: {  	[tilespmem:s1], [sflag:$0x4] =	stream.linear.gather [hbm4b:s14+s7], $0x80, $0x38;
	[tilespmem:$0x1CA80] =	vst v63  }
0x95: {  	_ =	swait.ge [sflag:s8], $0x4000  }
0x96: {  	[sflag:s8] =	ssyncset.done $0x0  }
0x97: {  	[sflag:s8] =	ssyncadd.s32 $0xFFFFC000  }
0x98: {  	_ =	swait.ge [sflag:s9], $0x80  }
0x99: {  	[sflag:s9] =	ssyncset.done $0x0  }
0x9a: {  	[sflag:s9] =	ssyncadd.s32 $0xFFFFFF80  }
0x9b: {  	_ =	swait.ge [sflag:s9], $0x80  }
0x9c: {  	[sflag:s9] =	ssyncset.done $0x0  }
0x9d: {  	[sflag:s9] =	ssyncadd.s32 $0xFFFFFF80  }
0x9e: {  	[tilespmem:s10], [sflag:$0x2] =	stream.indirect.gather [hbm4b:s0+s3], $0x80, s31, s3, $0xb8;
	[tilespmem:$0x1CA80] =	vst v63  }
0x9f: {  	_ = 	snop  }
0xa0: {  	[spmem:s4] =	stream.indirect.scatter.add.f32 [tilespmem:s29], [sflag:$0x7], $0x80, s3, s3, $0xb8;
	[tilespmem:$0x1CA80] =	vst v63  }
0xa1: {  	_ = 	snop  }
0xa2: {  	[spmem:s5] =	stream.indirect.scatter.add.f32 [tilespmem:s11], [sflag:$0x7], $0x1, s3, s3, $0xb8;
	[tilespmem:$0x1CA80] =	vst v63  }
0xa3: {  	s24 =	rddreg [dreg:$0x16]  }
0xa4: {  	[tilespmem:s15], [sflag:$0x5] =	stream.linear.gather [hbm4b:s24+s7], $0x80, $0x38;
	[tilespmem:$0x1CA80] =	vst v63  }
0xa5: {  	s25 =	rddreg [dreg:$0x17]  }
0xa6: {  	[tilespmem:s16], [sflag:$0x5] =	stream.linear.gather [hbm4b:s25+s7], $0x80, $0x38;
	[tilespmem:$0x1CA80] =	vst v63  }
0xa7: {  	_ =	swait.ge [sflag:s17], $0x4000  }
0xa8: {  	[sflag:s17] =	ssyncset.done $0x0  }
0xa9: {  	[sflag:s17] =	ssyncadd.s32 $0xFFFFC000  }
0xaa: {  	_ =	swait.ge [sflag:s18], $0x4000  }
0xab: {  	[sflag:s18] =	ssyncset.done $0x0  }
0xac: {  	[sflag:s18] =	ssyncadd.s32 $0xFFFFC000  }
0xad: {  	_ =	swait.ge [sflag:s18], $0x80  }
0xae: {  	[sflag:s18] =	ssyncset.done $0x0  }
0xaf: {  	[sflag:s18] =	ssyncadd.s32 $0xFFFFFF80  }
0xb0: {  	_ =	swait.ge [sflag:s19], $0x80  }
0xb1: {  	[sflag:s19] =	ssyncset.done $0x0  }
0xb2: {  	[sflag:s19] =	ssyncadd.s32 $0xFFFFFF80  }
0xb3: {  	_ =	swait.ge [sflag:s19], $0x80  }
0xb4: {  	[sflag:s19] =	ssyncset.done $0x0  }
0xb5: {  	[sflag:s19] =	ssyncadd.s32 $0xFFFFFF80  }
0xb6: {  	[tilespmem:s29], [sflag:$0x1] =	stream.indirect.gather [hbm4b:s0+s3], $0x80, s15, s3, $0xb8;
	[tilespmem:$0x1CA80] =	vst v63  }
0xb7: {  	_ = 	snop  }
0xb8: {  	[spmem:s4] =	stream.indirect.scatter.add.f32 [tilespmem:s10], [sflag:$0x8], $0x80, s1, s3, $0xb8;
	[tilespmem:$0x1CA80] =	vst v63  }
0xb9: {  	s30 =	rddreg [dreg:$0x1f]  }
0xba: {  	[spmem:s5] =	stream.indirect.scatter.add.f32 [tilespmem:s11], [sflag:$0x8], $0x1, s1, s3, $0xb8;
	[tilespmem:$0x1CA80] =	vst v63  }
0xbb: {  	s14 =	sld [smem:$0x7FD]  }
0xbc: {  	[tilespmem:s20], [sflag:$0x6] =	stream.linear.gather [hbm4b:s30+s7], $0x80, $0x38;
	[tilespmem:$0x1CA80] =	vst v63  }
0xbd: {  	_ = 	snop  }
0xbe: {  	[tilespmem:s21], [sflag:$0x6] =	stream.linear.gather [hbm4b:s14+s7], $0x80, $0x38;
	[tilespmem:$0x1CA80] =	vst v63  }
0xbf: {  	_ =	swait.ge [sflag:s8], $0x4000  }
0xc0: {  	[sflag:s8] =	ssyncset.done $0x0  }
0xc1: {  	[sflag:s8] =	ssyncadd.s32 $0xFFFFC000  }
0xc2: {  	_ =	swait.ge [sflag:s22], $0x4000  }
0xc3: {  	[sflag:s22] =	ssyncset.done $0x0  }
0xc4: {  	[sflag:s22] =	ssyncadd.s32 $0xFFFFC000  }
0xc5: {  	_ =	swait.ge [sflag:s22], $0x80  }
0xc6: {  	[sflag:s22] =	ssyncset.done $0x0  }
0xc7: {  	[sflag:s22] =	ssyncadd.s32 $0xFFFFFF80  }
0xc8: {  	_ =	swait.ge [sflag:s23], $0x80  }
0xc9: {  	[sflag:s23] =	ssyncset.done $0x0  }
0xca: {  	[sflag:s23] =	ssyncadd.s32 $0xFFFFFF80  }
0xcb: {  	_ =	swait.ge [sflag:s23], $0x80  }
0xcc: {  	[sflag:s23] =	ssyncset.done $0x0  }
0xcd: {  	[sflag:s23] =	ssyncadd.s32 $0xFFFFFF80  }
0xce: {  	[tilespmem:s10], [sflag:$0x2] =	stream.indirect.gather [hbm4b:s0+s3], $0x80, s20, s3, $0xb8;
	[tilespmem:$0x1CA80] =	vst v63  }
0xcf: {  	s30 =	rddreg [dreg:$0x1e]  }
0xd0: {  	[spmem:s4] =	stream.indirect.scatter.add.f32 [tilespmem:s29], [sflag:$0x9], $0x80, s16, s3, $0xb8;
	[tilespmem:$0x1CA80] =	vst v63  }
0xd1: {  	s14 =	rddreg [dreg:$0x1d];
	s24 =	sshrl.u32 s30, $0x3  }
0xd2: {  	[spmem:s5] =	stream.indirect.scatter.add.f32 [tilespmem:s11], [sflag:$0x9], $0x1, s16, s3, $0xb8;
	[tilespmem:$0x1CA80] =	vst v63  }
0xd3: {  	s25 =	sshrl.u32 s14, $0x3;
	s7 =	sadd.s32 s2, s24  }
0xd4: {  	[tilespmem:s6], [sflag:$0x3] =	stream.linear.gather [hbm4b:s7+s6], $0x80, $0x38;
	[tilespmem:$0x1CA80] =	vst v63  }
0xd5: {  	s12 =	sadd.s32 s2, s25  }
0xd6: {  	[tilespmem:s3], [sflag:$0x3] =	stream.linear.gather [hbm4b:s12+s6], $0x80, $0x38;
	[tilespmem:$0x1CA80] =	vst v63  }
0xd7: {  	_ =	swait.ge [sflag:s17], $0x4000  }
0xd8: {  	[sflag:s17] =	ssyncset.done $0x0  }
0xd9: {  	[sflag:s17] =	ssyncadd.s32 $0xFFFFC000  }
0xda: {  	_ =	swait.ge [sflag:s26], $0x4000  }
0xdb: {  	[sflag:s26] =	ssyncset.done $0x0  }
0xdc: {  	[sflag:s26] =	ssyncadd.s32 $0xFFFFC000  }
0xdd: {  	_ =	swait.ge [sflag:s26], $0x80  }
0xde: {  	[sflag:s26] =	ssyncset.done $0x0  }
0xdf: {  	[sflag:s26] =	ssyncadd.s32 $0xFFFFFF80  }
0xe0: {  	_ =	swait.ge [sflag:s28], $0x80  }
0xe1: {  	[sflag:s28] =	ssyncset.done $0x0  }
0xe2: {  	[sflag:s28] =	ssyncadd.s32 $0xFFFFFF80  }
0xe3: {  	_ =	swait.ge [sflag:s28], $0x80  }
0xe4: {  	[sflag:s28] =	ssyncset.done $0x0  }
0xe5: {  	[sflag:s28] =	ssyncadd.s32 $0xFFFFFF80  }
0xe6: {  	[tilespmem:s29], [sflag:$0x1] =	stream.indirect.gather [hbm4b:s0+s3], $0x80, s6, s3, $0xb8;
	[tilespmem:$0x1CA80] =	vst v63  }
0xe7: {  	_ = 	snop  }
0xe8: {  	[spmem:s4] =	stream.indirect.scatter.add.f32 [tilespmem:s10], [sflag:$0xA], $0x80, s21, s3, $0xb8;
	[tilespmem:$0x1CA80] =	vst v63  }
0xe9: {  	s24 =	rddreg [dreg:$0x9]  }
0xea: {  	[spmem:s5] =	stream.indirect.scatter.add.f32 [tilespmem:s11], [sflag:$0xA], $0x1, s21, s3, $0xb8;
	[tilespmem:$0x1CA80] =	vst v63  }
0xeb: {  	s25 =	rddreg [dreg:$0x8];
	s7 =	sadd.s32 $0x0, s24  }
0xec: {  	[tilespmem:s31], [sflag:$0x4] =	stream.linear.gather [hbm4b:s7+s6], $0x80, $0x38;
	[tilespmem:$0x1CA80] =	vst v63  }
0xed: {  	s12 =	sadd.s32 $0x0, s25  }
0xee: {  	[tilespmem:s1], [sflag:$0x4] =	stream.linear.gather [hbm4b:s12+s6], $0x80, $0x38;
	[tilespmem:$0x1CA80] =	vst v63  }
0xef: {  	_ =	swait.ge [sflag:s8], $0x4000  }
0xf0: {  	[sflag:s8] =	ssyncset.done $0x0  }
0xf1: {  	[sflag:s8] =	ssyncadd.s32 $0xFFFFC000  }
0xf2: {  	_ =	swait.ge [sflag:s13], $0x4000  }
0xf3: {  	[sflag:s13] =	ssyncset.done $0x0  }
0xf4: {  	[sflag:s13] =	ssyncadd.s32 $0xFFFFC000  }
0xf5: {  	_ =	swait.ge [sflag:s13], $0x80  }
0xf6: {  	[sflag:s13] =	ssyncset.done $0x0  }
0xf7: {  	[sflag:s13] =	ssyncadd.s32 $0xFFFFFF80  }
0xf8: {  	_ =	swait.ge [sflag:s9], $0x80  }
0xf9: {  	[sflag:s9] =	ssyncset.done $0x0  }
0xfa: {  	[sflag:s9] =	ssyncadd.s32 $0xFFFFFF80  }
0xfb: {  	_ =	swait.ge [sflag:s9], $0x80  }
0xfc: {  	[sflag:s9] =	ssyncset.done $0x0  }
0xfd: {  	[sflag:s9] =	ssyncadd.s32 $0xFFFFFF80  }
0xfe: {  	[tilespmem:s10], [sflag:$0x2] =	stream.indirect.gather [hbm4b:s0+s3], $0x80, s31, s3, $0xb8;
	[tilespmem:$0x1CA80] =	vst v63  }
0xff: {  	_ = 	snop  }
0x100: {  	[spmem:s4] =	stream.indirect.scatter.add.f32 [tilespmem:s29], [sflag:$0x7], $0x80, s3, s3, $0xb8;
	[tilespmem:$0x1CA80] =	vst v63  }
0x101: {  	s24 =	rddreg [dreg:$0x7]  }
0x102: {  	[spmem:s5] =	stream.indirect.scatter.add.f32 [tilespmem:s11], [sflag:$0x7], $0x1, s3, s3, $0xb8;
	[tilespmem:$0x1CA80] =	vst v63  }
0x103: {  	s25 =	rddreg [dreg:$0x6];
	s7 =	sadd.s32 $0x0, s24  }
0x104: {  	[tilespmem:s15], [sflag:$0x5] =	stream.linear.gather [hbm4b:s7+s6], $0x80, $0x38;
	[tilespmem:$0x1CA80] =	vst v63  }
0x105: {  	s12 =	sadd.s32 $0x0, s25  }
0x106: {  	[tilespmem:s16], [sflag:$0x5] =	stream.linear.gather [hbm4b:s12+s6], $0x80, $0x38;
	[tilespmem:$0x1CA80] =	vst v63  }
0x107: {  	_ =	swait.ge [sflag:s17], $0x4000  }
0x108: {  	[sflag:s17] =	ssyncset.done $0x0  }
0x109: {  	[sflag:s17] =	ssyncadd.s32 $0xFFFFC000  }
0x10a: {  	_ =	swait.ge [sflag:s18], $0x4000  }
0x10b: {  	[sflag:s18] =	ssyncset.done $0x0  }
0x10c: {  	[sflag:s18] =	ssyncadd.s32 $0xFFFFC000  }
0x10d: {  	_ =	swait.ge [sflag:s18], $0x80  }
0x10e: {  	[sflag:s18] =	ssyncset.done $0x0  }
0x10f: {  	[sflag:s18] =	ssyncadd.s32 $0xFFFFFF80  }
0x110: {  	_ =	swait.ge [sflag:s19], $0x80  }
0x111: {  	[sflag:s19] =	ssyncset.done $0x0  }
0x112: {  	[sflag:s19] =	ssyncadd.s32 $0xFFFFFF80  }
0x113: {  	_ =	swait.ge [sflag:s19], $0x80  }
0x114: {  	[sflag:s19] =	ssyncset.done $0x0  }
0x115: {  	[sflag:s19] =	ssyncadd.s32 $0xFFFFFF80  }
0x116: {  	[tilespmem:s29], [sflag:$0x1] =	stream.indirect.gather [hbm4b:s0+s3], $0x80, s15, s3, $0xb8;
	[tilespmem:$0x1CA80] =	vst v63  }
0x117: {  	_ = 	snop  }
0x118: {  	[spmem:s4] =	stream.indirect.scatter.add.f32 [tilespmem:s10], [sflag:$0x8], $0x80, s1, s3, $0xb8;
	[tilespmem:$0x1CA80] =	vst v63  }
0x119: {  	s24 =	rddreg [dreg:$0xb]  }
0x11a: {  	[spmem:s5] =	stream.indirect.scatter.add.f32 [tilespmem:s11], [sflag:$0x8], $0x1, s1, s3, $0xb8;
	[tilespmem:$0x1CA80] =	vst v63  }
0x11b: {  	s12 =	simm.s32 $0x40;
	s25 =	rddreg [dreg:$0xa];
	s7 =	sadd.s32 $0x0, s24  }
0x11c: {  	[tilespmem:s20], [sflag:$0x6] =	stream.linear.gather [hbm4b:s7+s6], $0x80, $0x38;
	[tilespmem:$0x1CA80] =	vst v63  }
0x11d: {  	s25 =	sadd.s32 $0x0, s25;
	s24 =	sadd.s32 $0x200, s30;
	s7 =	sadd.s32 $0x200, s14  }
.LBB2_4:
0x11e: {  	[tilespmem:s21], [sflag:$0x6] =	stream.linear.gather [hbm4b:s25+s6], $0x80, $0x38;
	[tilespmem:$0x1CA80] =	vst v63  }
0x11f: {  	_ =	swait.ge [sflag:s8], $0x4000  }
0x120: {  	[sflag:s8] =	ssyncset.done $0x0  }
0x121: {  	[sflag:s8] =	ssyncadd.s32 $0xFFFFC000  }
0x122: {  	_ =	swait.ge [sflag:s22], $0x4000  }
0x123: {  	[sflag:s22] =	ssyncset.done $0x0  }
0x124: {  	[sflag:s22] =	ssyncadd.s32 $0xFFFFC000  }
0x125: {  	_ =	swait.ge [sflag:s22], $0x80  }
0x126: {  	[sflag:s22] =	ssyncset.done $0x0  }
0x127: {  	[sflag:s22] =	ssyncadd.s32 $0xFFFFFF80  }
0x128: {  	_ =	swait.ge [sflag:s23], $0x80  }
0x129: {  	[sflag:s23] =	ssyncset.done $0x0  }
0x12a: {  	[sflag:s23] =	ssyncadd.s32 $0xFFFFFF80  }
0x12b: {  	_ =	swait.ge [sflag:s23], $0x80  }
0x12c: {  	[sflag:s23] =	ssyncset.done $0x0  }
0x12d: {  	[sflag:s23] =	ssyncadd.s32 $0xFFFFFF80  }
0x12e: {  	[tilespmem:s10], [sflag:$0x2] =	stream.indirect.gather [hbm4b:s0+s3], $0x80, s20, s3, $0xb8;
	[tilespmem:$0x1CA80] =	vst v63  }
0x12f: {  	_ = 	snop  }
0x130: {  	[spmem:s4] =	stream.indirect.scatter.add.f32 [tilespmem:s29], [sflag:$0x9], $0x80, s16, s3, $0xb8;
	[tilespmem:$0x1CA80] =	vst v63  }
0x131: {  	s14 =	sshrl.u32 s24, $0x3  }
0x132: {  	[spmem:s5] =	stream.indirect.scatter.add.f32 [tilespmem:s11], [sflag:$0x9], $0x1, s16, s3, $0xb8;
	[tilespmem:$0x1CA80] =	vst v63  }
0x133: {  	s30 =	sshrl.u32 s7, $0x3;
	s14 =	sadd.s32 s2, s14  }
0x134: {  	[tilespmem:s6], [sflag:$0x3] =	stream.linear.gather [hbm4b:s14+s6], $0x80, $0x38;
	[tilespmem:$0x1CA80] =	vst v63  }
0x135: {  	s30 =	sadd.s32 s2, s30  }
0x136: {  	[tilespmem:s3], [sflag:$0x3] =	stream.linear.gather [hbm4b:s30+s6], $0x80, $0x38;
	[tilespmem:$0x1CA80] =	vst v63  }
0x137: {  	_ =	swait.ge [sflag:s17], $0x4000  }
0x138: {  	[sflag:s17] =	ssyncset.done $0x0  }
0x139: {  	[sflag:s17] =	ssyncadd.s32 $0xFFFFC000  }
0x13a: {  	_ =	swait.ge [sflag:s26], $0x4000  }
0x13b: {  	[sflag:s26] =	ssyncset.done $0x0  }
0x13c: {  	[sflag:s26] =	ssyncadd.s32 $0xFFFFC000  }
0x13d: {  	_ =	swait.ge [sflag:s26], $0x80  }
0x13e: {  	[sflag:s26] =	ssyncset.done $0x0  }
0x13f: {  	[sflag:s26] =	ssyncadd.s32 $0xFFFFFF80  }
0x140: {  	_ =	swait.ge [sflag:s28], $0x80  }
0x141: {  	[sflag:s28] =	ssyncset.done $0x0  }
0x142: {  	[sflag:s28] =	ssyncadd.s32 $0xFFFFFF80  }
0x143: {  	_ =	swait.ge [sflag:s28], $0x80  }
0x144: {  	[sflag:s28] =	ssyncset.done $0x0  }
0x145: {  	[sflag:s28] =	ssyncadd.s32 $0xFFFFFF80  }
0x146: {  	[tilespmem:s29], [sflag:$0x1] =	stream.indirect.gather [hbm4b:s0+s3], $0x80, s6, s3, $0xb8;
	[tilespmem:$0x1CA80] =	vst v63  }
0x147: {  	_ = 	snop  }
0x148: {  	[spmem:s4] =	stream.indirect.scatter.add.f32 [tilespmem:s10], [sflag:$0xA], $0x80, s21, s3, $0xb8;
	[tilespmem:$0x1CA80] =	vst v63  }
0x149: {  	s25 =	smov.u32 s12;
	s14 =	rddreg [dreg:$0x9]  }
0x14a: {  	[spmem:s5] =	stream.indirect.scatter.add.f32 [tilespmem:s11], [sflag:$0xA], $0x1, s21, s3, $0xb8;
	[tilespmem:$0x1CA80] =	vst v63  }
0x14b: {  	s30 =	rddreg [dreg:$0x8];
	s14 =	sadd.s32 s25, s14  }
0x14c: {  	[tilespmem:s31], [sflag:$0x4] =	stream.linear.gather [hbm4b:s14+s6], $0x80, $0x38;
	[tilespmem:$0x1CA80] =	vst v63  }
0x14d: {  	s30 =	sadd.s32 s25, s30  }
0x14e: {  	[tilespmem:s1], [sflag:$0x4] =	stream.linear.gather [hbm4b:s30+s6], $0x80, $0x38;
	[tilespmem:$0x1CA80] =	vst v63  }
0x14f: {  	_ =	swait.ge [sflag:s8], $0x4000  }
0x150: {  	[sflag:s8] =	ssyncset.done $0x0  }
0x151: {  	[sflag:s8] =	ssyncadd.s32 $0xFFFFC000  }
0x152: {  	_ =	swait.ge [sflag:s13], $0x4000  }
0x153: {  	[sflag:s13] =	ssyncset.done $0x0  }
0x154: {  	[sflag:s13] =	ssyncadd.s32 $0xFFFFC000  }
0x155: {  	_ =	swait.ge [sflag:s13], $0x80  }
0x156: {  	[sflag:s13] =	ssyncset.done $0x0  }
0x157: {  	[sflag:s13] =	ssyncadd.s32 $0xFFFFFF80  }
0x158: {  	_ =	swait.ge [sflag:s9], $0x80  }
0x159: {  	[sflag:s9] =	ssyncset.done $0x0  }
0x15a: {  	[sflag:s9] =	ssyncadd.s32 $0xFFFFFF80  }
0x15b: {  	_ =	swait.ge [sflag:s9], $0x80  }
0x15c: {  	[sflag:s9] =	ssyncset.done $0x0  }
0x15d: {  	[sflag:s9] =	ssyncadd.s32 $0xFFFFFF80  }
0x15e: {  	[tilespmem:s10], [sflag:$0x2] =	stream.indirect.gather [hbm4b:s0+s3], $0x80, s31, s3, $0xb8;
	[tilespmem:$0x1CA80] =	vst v63  }
0x15f: {  	_ = 	snop  }
0x160: {  	[spmem:s4] =	stream.indirect.scatter.add.f32 [tilespmem:s29], [sflag:$0x7], $0x80, s3, s3, $0xb8;
	[tilespmem:$0x1CA80] =	vst v63  }
0x161: {  	s14 =	rddreg [dreg:$0x7]  }
0x162: {  	[spmem:s5] =	stream.indirect.scatter.add.f32 [tilespmem:s11], [sflag:$0x7], $0x1, s3, s3, $0xb8;
	[tilespmem:$0x1CA80] =	vst v63  }
0x163: {  	s30 =	rddreg [dreg:$0x6];
	s14 =	sadd.s32 s25, s14  }
0x164: {  	[tilespmem:s15], [sflag:$0x5] =	stream.linear.gather [hbm4b:s14+s6], $0x80, $0x38;
	[tilespmem:$0x1CA80] =	vst v63  }
0x165: {  	s30 =	sadd.s32 s25, s30  }
0x166: {  	[tilespmem:s16], [sflag:$0x5] =	stream.linear.gather [hbm4b:s30+s6], $0x80, $0x38;
	[tilespmem:$0x1CA80] =	vst v63  }
0x167: {  	_ =	swait.ge [sflag:s17], $0x4000  }
0x168: {  	[sflag:s17] =	ssyncset.done $0x0  }
0x169: {  	[sflag:s17] =	ssyncadd.s32 $0xFFFFC000  }
0x16a: {  	_ =	swait.ge [sflag:s18], $0x4000  }
0x16b: {  	[sflag:s18] =	ssyncset.done $0x0  }
0x16c: {  	[sflag:s18] =	ssyncadd.s32 $0xFFFFC000  }
0x16d: {  	_ =	swait.ge [sflag:s18], $0x80  }
0x16e: {  	[sflag:s18] =	ssyncset.done $0x0  }
0x16f: {  	[sflag:s18] =	ssyncadd.s32 $0xFFFFFF80  }
0x170: {  	_ =	swait.ge [sflag:s19], $0x80  }
0x171: {  	[sflag:s19] =	ssyncset.done $0x0  }
0x172: {  	[sflag:s19] =	ssyncadd.s32 $0xFFFFFF80  }
0x173: {  	_ =	swait.ge [sflag:s19], $0x80  }
0x174: {  	[sflag:s19] =	ssyncset.done $0x0  }
0x175: {  	[sflag:s19] =	ssyncadd.s32 $0xFFFFFF80  }
0x176: {  	[tilespmem:s29], [sflag:$0x1] =	stream.indirect.gather [hbm4b:s0+s3], $0x80, s15, s3, $0xb8;
	[tilespmem:$0x1CA80] =	vst v63  }
0x177: {  	p0 =	sne.s32 s12, $0x940  }
0x178: {  	[spmem:s4] =	stream.indirect.scatter.add.f32 [tilespmem:s10], [sflag:$0x8], $0x80, s1, s3, $0xb8;
	[tilespmem:$0x1CA80] =	vst v63  }
.Ltmp1:
0x179: {  	s14 =	rddreg [dreg:$0xb];
	(pc) =	sbr.rel @p0 .LBB2_4-.Ltmp1, $4  }
0x17a: {  	s12 =	sadd.s32 $0x40, s12;
	s7 =	sadd.s32 $0x200, s7;
	s30 =	rddreg [dreg:$0xa]  }
0x17b: {  	[spmem:s5] =	stream.indirect.scatter.add.f32 [tilespmem:s11], [sflag:$0x8], $0x1, s1, s3, $0xb8;
	[tilespmem:$0x1CA80] =	vst v63  }
0x17c: {  	s24 =	sadd.s32 $0x200, s24;
	s14 =	sadd.s32 s25, s14;
	s25 =	sadd.s32 s25, s30  }
0x17d: {  	[tilespmem:s20], [sflag:$0x6] =	stream.linear.gather [hbm4b:s14+s6], $0x80, $0x38;
	[tilespmem:$0x1CA80] =	vst v63  }
0x17e: {  	[tilespmem:s21], [sflag:$0x6] =	stream.linear.gather [hbm4b:s25+s6], $0x80, $0x38;
	[tilespmem:$0x1CA80] =	vst v63  }
0x17f: {  	_ =	swait.ge [sflag:s8], $0x4000  }
0x180: {  	[sflag:s8] =	ssyncset.done $0x0  }
0x181: {  	[sflag:s8] =	ssyncadd.s32 $0xFFFFC000  }
0x182: {  	_ =	swait.ge [sflag:s22], $0x4000  }
0x183: {  	[sflag:s22] =	ssyncset.done $0x0  }
0x184: {  	[sflag:s22] =	ssyncadd.s32 $0xFFFFC000  }
0x185: {  	_ =	swait.ge [sflag:s22], $0x80  }
0x186: {  	[sflag:s22] =	ssyncset.done $0x0  }
0x187: {  	[sflag:s22] =	ssyncadd.s32 $0xFFFFFF80  }
0x188: {  	_ =	swait.ge [sflag:s23], $0x80  }
0x189: {  	[sflag:s23] =	ssyncset.done $0x0  }
0x18a: {  	[sflag:s23] =	ssyncadd.s32 $0xFFFFFF80  }
0x18b: {  	_ =	swait.ge [sflag:s23], $0x80  }
0x18c: {  	[sflag:s23] =	ssyncset.done $0x0  }
0x18d: {  	[sflag:s23] =	ssyncadd.s32 $0xFFFFFF80  }
0x18e: {  	[tilespmem:s10], [sflag:$0x2] =	stream.indirect.gather [hbm4b:s0+s3], $0x80, s20, s3, $0xb8;
	[tilespmem:$0x1CA80] =	vst v63  }
0x18f: {  	_ = 	snop  }
0x190: {  	[spmem:s4] =	stream.indirect.scatter.add.f32 [tilespmem:s29], [sflag:$0x9], $0x80, s16, s3, $0xb8;
	[tilespmem:$0x1CA80] =	vst v63  }
0x191: {  	_ = 	snop  }
0x192: {  	[spmem:s5] =	stream.indirect.scatter.add.f32 [tilespmem:s11], [sflag:$0x9], $0x1, s16, s3, $0xb8;
	[tilespmem:$0x1CA80] =	vst v63  }
0x193: {  	_ =	swait.ge [sflag:s17], $0x4000  }
0x194: {  	[sflag:s17] =	ssyncset.done $0x0  }
0x195: {  	[sflag:s17] =	ssyncadd.s32 $0xFFFFC000  }
0x196: {  	_ =	swait.ge [sflag:s26], $0x4000  }
0x197: {  	[sflag:s26] =	ssyncset.done $0x0  }
0x198: {  	[sflag:s26] =	ssyncadd.s32 $0xFFFFC000  }
0x199: {  	_ =	swait.ge [sflag:s26], $0x80  }
0x19a: {  	[sflag:s26] =	ssyncset.done $0x0  }
0x19b: {  	[sflag:s26] =	ssyncadd.s32 $0xFFFFFF80  }
0x19c: {  	[spmem:s4] =	stream.indirect.scatter.add.f32 [tilespmem:s10], [sflag:$0xA], $0x80, s21, s3, $0xb8;
	[tilespmem:$0x1CA80] =	vst v63  }
0x19d: {  	_ = 	snop  }
0x19e: {  	[spmem:s5] =	stream.indirect.scatter.add.f32 [tilespmem:s11], [sflag:$0xA], $0x1, s21, s3, $0xb8;
	[tilespmem:$0x1CA80] =	vst v63  }
0x19f: {  	_ =	swait.ge [sflag:s13], $0x4000  }
0x1a0: {  	[sflag:s13] =	ssyncset.done $0x0  }
0x1a1: {  	[sflag:s13] =	ssyncadd.s32 $0xFFFFC000  }
0x1a2: {  	_ =	swait.ge [sflag:s13], $0x80  }
0x1a3: {  	s12 =	simm.s32 $0x8700;
	[sflag:s13] =	ssyncset.done $0x0  }
0x1a4: {  	s30 =	simm.s32 $0xB;
	s7 =	rddreg [dreg:$0x18];
	[sflag:s13] =	ssyncadd.s32 $0xFFFFFF80  }
0x1a5: {  	[tilespmem:s12], [sflag:$0xB] =	stream.linear.gather [hbm4b:s7+s6], $0x20, $0x38;
	[tilespmem:$0x1CA80] =	vst v63  }
0x1a6: {  	_ =	swait.ge [sflag:s30], $0x20  }
0x1a7: {  	[sflag:s30] =	ssyncset.done $0x0  }
0x1a8: {  	s14 =	simm.s32 $0x8780;
	s24 =	rddreg [dreg:$0x19];
	[sflag:s30] =	ssyncadd.s32 $0xFFFFFFE0  }
0x1a9: {  	[tilespmem:s14], [sflag:$0xB] =	stream.linear.gather [hbm4b:s24+s6], $0x20, $0x38;
	[tilespmem:$0x1CA80] =	vst v63  }
0x1aa: {  	_ =	swait.ge [sflag:s30], $0x20  }
0x1ab: {  	[sflag:s30] =	ssyncset.done $0x0  }
0x1ac: {  	s25 =	simm.s32 $0x20;
	[sflag:s30] =	ssyncadd.s32 $0xFFFFFFE0  }
0x1ad: {  	[tilespmem:s29], [sflag:$0x1] =	stream.indirect.gather [hbm4b:s0+s25], $0x80, s12, s25, $0xb8;
	[tilespmem:$0x1CA80] =	vst v63  }
0x1ae: {  	_ =	swait.ge [sflag:s8], $0x1000  }
0x1af: {  	[sflag:s8] =	ssyncset.done $0x0  }
0x1b0: {  	[sflag:s8] =	ssyncadd.s32 $0xFFFFF000  }
0x1b1: {  	[spmem:s4] =	stream.indirect.scatter.add.f32 [tilespmem:s29], [sflag:$0xB], $0x80, s14, s25, $0xb8;
	[tilespmem:$0x1CA80] =	vst v63  }
0x1b2: {  	_ =	swait.ge [sflag:s30], $0x1000  }
0x1b3: {  	[sflag:s30] =	ssyncset.done $0x0  }
0x1b4: {  	[sflag:s30] =	ssyncadd.s32 $0xFFFFF000  }
0x1b5: {  	[spmem:s5] =	stream.indirect.scatter.add.f32 [tilespmem:s11], [sflag:$0xB], $0x1, s14, s25, $0xb8;
	[tilespmem:$0x1CA80] =	vst v63  }
0x1b6: {  	_ =	swait.ge [sflag:s30], $0x20  }
0x1b7: {  	[sflag:s30] =	ssyncset.done $0x0  }
0x1b8: {  	[sflag:s30] =	ssyncadd.s32 $0xFFFFFFE0  }
0x1b9: {  	s12 =	stileid.u32;
	[bflag:$0x0] =	sbarrier.arrive $0xFFFF  }
0x1ba: {  	s7 =	sshll.u32 s12, $0x6;
	s24 =	rddreg [dreg:$0xc]  }
0x1bb: {  	s7 =	sor.u32 $0x1C0B, s7;
	s25 =	rddreg [dreg:$0x1a];
	s14 =	sshrl.u32 s24, $0x3  }
0x1bc: {  	[hbm:s25], [sflag:s7] =	dma.local [spmem:s14], $0x2800  }
0x1bd: {  	_ =	swait.ge [sflag:s30], $0x2800  }
0x1be: {  	[sflag:s30] =	ssyncset.done $0x0;
	s25 =	rddreg [dreg:$0x11]  }
0x1bf: {  	s14 =	rddreg [dreg:$0x1b];
	[sflag:s30] =	ssyncadd.s32 $0xFFFFD800;
	s12 =	sshrl.u32 s25, $0x3  }
0x1c0: {  	[hbm:s14], [sflag:s7] =	dma.local [spmem:s12], $0x50  }
0x1c1: {  	_ =	swait.ge [sflag:s30], $0x50  }
0x1c2: {  	s7 =	sld [smem:$0x7FC];
	_ =	sdelay $0x2  }
0x1c3: {  	s14 =	rddreg [dreg:$0x1c];
	s12 =	sadd.s32 $0x1, s7  }
0x1c4: {  	p0 =	sne.s32 s12, s14  }
.Ltmp2:
0x1c5: {  	_ = 	snop;
	(pc) =	sbr.rel @p0 .LBB2_1-.Ltmp2, $3  }
0x1c6: {  	_ =	sdelay $0x1  }
0x1c7: {  	[sflag:s30] =	ssyncset.done $0x0  }
0x1c8: {  	[sflag:s30] =	ssyncadd.s32 $0xFFFFFFB0  }
0x1c9: {  	_ =	sfence.sel $0x180000  }
0x1ca: {  	[bflag:$0x0] =	sbarrier.arrive $0xFFFF  }
0x1cb: {  	_ =	strace $0x90000047  }
0x1cc: {  	s0 =	stileid.u32;
	[bflag:$0x2] =	sbarrier.arrive $0xFFFF  }
0x1cd: {  	p0 =	sne.s32 s0, $0x0;
	s0 =	rddreg [dreg:$0x5]  }
0x1ce: {  	s0 =	sadd.s32 @!p0 $0x100000, s0  }
0x1cf: {  	[sflag:s0] =	ssyncadd.tile.s32 @!p0 $0x1;
	_ =	shalt  }
.Lfunc_end2:
_tile_overlayer_lowered:
.L_overlay_start_2:
0x1d0: {  	(tag) =	ssettag $0x2  }
0x1d1: {  	s0 =	rddreg [dreg:$0x0];
	s2 =	stileid.u32  }
0x1d2: {  	s1 =	rddreg [dreg:$0x1];
	p0 =	sne.s32 s2, $0x0  }
0x1d3: {  	s3 =	rddreg [dreg:$0x2];
	[bflag:$0x3] =	sbarrier.arrive $0xFFFF;
	s2 =	simm.s32 @!p0 $0x1C0B  }
0x1d4: {  	[timem:s3], [sflag:s2] =	dma.local @!p0 [hbm:s0], s1  }
0x1d5: {  	s0 =	simm.s32 @!p0 $0xB  }
0x1d6: {  	_ =	swait.ge @!p0 [sflag:s0], s1  }
0x1d7: {  	s1 =	ssub.s32 @!p0 $0x0, s1;
	[sflag:s0] =	ssyncset.done @!p0 $0x0  }
0x1d8: {  	[sflag:s0] =	ssyncadd.s32 @!p0 s1  }
0x1d9: {  	[bflag:$0x3] =	sbarrier.arrive $0xFFFF  }
0x1da: {  	_ =	shalt  }

</sc_bundles>
